<compile_context>
chip_gen: v7x
topology: tpu7x:2x2x1
jax: 0.10.2.dev20260603
libtpu: 0.0.44.dev20260713+nightly
codegen_flags: <defaults>
</compile_context>

<pallas_src>
import functools

import jax
import jax.numpy as jnp
from jax import lax
from jax.experimental import pallas as pl
from jax.experimental.pallas import tpu as pltpu
from jax.experimental.pallas import tpu_sc as plsc


def _make_lookup(V, C, B):
    info = plsc.get_sparse_core_info()
    NC, NS, L = info.num_cores, info.num_subcores, info.num_lanes
    NW = NC * NS
    assert C == NW
    CHUNK = 4096
    n_chunks = B // CHUNK
    U = 8
    mesh = plsc.VectorSubcoreMesh(core_axis_name="c", subcore_axis_name="s")

    @functools.partial(
        pl.kernel,
        mesh=mesh,
        out_type=jax.ShapeDtypeStruct((C, B // 128, 128), jnp.float32),
        scratch_types=[
            pltpu.VMEM((V,), jnp.float32),
            pltpu.VMEM((B,), jnp.int32),
            pltpu.VMEM((CHUNK // 128, 128), jnp.float32),
            pltpu.VMEM((CHUNK // 128, 128), jnp.float32),
            pltpu.SemaphoreType.DMA,
            pltpu.SemaphoreType.DMA,
            pltpu.SemaphoreType.DMA,
        ],
        compiler_params=pltpu.CompilerParams(
            use_tc_tiling_on_sc=True, needs_layout_passes=False
        ),
    )
    def lookup_kernel(tableT_hbm, idx_hbm, outT_hbm, row_v, idx_v, val_a,
                      val_b, sem_row, sem_idx, sem_out):
        ch = lax.axis_index("s") * NC + lax.axis_index("c")
        row_cp = pltpu.async_copy(tableT_hbm.at[ch], row_v, sem_row)
        idx_cp = pltpu.async_copy(idx_hbm, idx_v, sem_idx)
        idx_cp.wait()
        row_cp.wait()

        bufs = (val_a, val_b)
        for k in range(n_chunks):
            buf = bufs[k % 2]
            rows = CHUNK // 128
            if k >= 2:
                pltpu.make_async_copy(
                    buf, outT_hbm.at[ch, pl.ds((k - 2) * rows, rows)], sem_out
                ).wait()

            def gather_body(j, _, k=k, buf=buf):
                base = k * CHUNK + j * (L * U)
                idx_vecs = [idx_v[pl.ds(base + u * L, L)] for u in range(U)]
                vals = [plsc.load_gather(row_v, [iv]) for iv in idx_vecs]
                for u in range(U):
                    buf[j, pl.ds(u * L, L)] = vals[u]
                return ()

            lax.fori_loop(0, CHUNK // (L * U), gather_body, (), unroll=1)
            pltpu.async_copy(
                buf, outT_hbm.at[ch, pl.ds(k * rows, rows)], sem_out
            )
        rows = CHUNK // 128
        for k in range(n_chunks - 2, n_chunks):
            pltpu.make_async_copy(
                bufs[k % 2], outT_hbm.at[ch, pl.ds(k * rows, rows)], sem_out
            ).wait()

    return lookup_kernel


def kernel(genre, table):
    B, = genre.shape
    V, C = table.shape
    outT = _make_lookup(V, C, B)(table.T, genre)
    return outT.reshape(C, B, 1, 1).transpose(1, 0, 2, 3)

# --- scband reference (transcript-rebuilt; emitter-appended) ---
"""Pipeline reference for scband-genre-embd-23691039605150 (READ-ONLY COPY).

The authoritative reference and input builder live on the scoring server;
editing this copy changes nothing except your own understanding.
"""

import jax, jax.numpy as jnp
import numpy as np

GENRES = 100000
CHANNELS = 32
BATCH = 16384

def setup_inputs(seed: int = 0) -> dict:
    key = jax.random.key(seed)
    k1, k2 = jax.random.split(key)
    genre = jax.random.randint(k1, (BATCH,), 0, GENRES, dtype=jnp.int64 if jax.config.jax_enable_x64 else jnp.int32).astype(jnp.int32)
    table = jax.random.normal(k2, (GENRES, CHANNELS), dtype=jnp.float32)
    return {"genre": genre, "table": table}

def reference(genre, table):
    # nn.Embedding lookup: table[genre] -> [B, C]
    emb = jnp.take(table, genre, axis=0)
    # [:, ..., None, None] -> [B, C, 1, 1]
    return emb[:, :, None, None]

if __name__ == "__main__":
    import jax
    _d = setup_inputs()
    print(jax.jit(kernel)(*tuple(_d.values())))

</pallas_src>

<mosaic_0001>
#map = affine_map<(d0, d1) -> (0, 0)>
#map1 = affine_map<(d0, d1) -> (0)>
#map2 = affine_map<(d0, d1) -> (0, 0, 0)>
module attributes {stable_mosaic.version = 14 : i64} {
  func.func @lookup_kernel(%arg0: i32, %arg1: i32, %arg2: memref<32x100000xf32, #tpu.memory_space<hbm>>, %arg3: memref<16384xi32, #tpu.memory_space<hbm>>, %arg4: memref<32x128x128xf32, #tpu.memory_space<hbm>>, %arg5: memref<100000xf32, #tpu.memory_space<vmem>>, %arg6: memref<16384xi32, #tpu.memory_space<vmem>>, %arg7: memref<32x128xf32, #tpu.memory_space<vmem>>, %arg8: memref<32x128xf32, #tpu.memory_space<vmem>>, %arg9: memref<!tpu.dma_semaphore, #tpu.memory_space<semaphore_mem>>, %arg10: memref<!tpu.dma_semaphore, #tpu.memory_space<semaphore_mem>>, %arg11: memref<!tpu.dma_semaphore, #tpu.memory_space<semaphore_mem>>) attributes {dimension_semantics = [#tpu.dimension_semantics<core_parallel>, #tpu.dimension_semantics<subcore_parallel>], iteration_bounds = array<i64: 2, 16>, scalar_prefetch = 0 : i64, scratch_operands = 7 : i64, tpu.core_type = #tpu.core_type<sc_vector_subcore>, window_params = [{transform_indices = #map}, {transform_indices = #map1}, {transform_indices = #map2}]} {
    %mul3A = arith.constant 2 : i32
    %mul3A_0 = arith.muli %arg1, %mul3A : i32
    %add3A = arith.addi %mul3A_0, %arg0 : i32
    %dma_start3A = arith.constant 0 : i32
    %dma_start3A_1 = tpu.memref_slice %arg2[%add3A, %dma_start3A] : memref<32x100000xf32, #tpu.memory_space<hbm>> -> memref<1x100000xf32, #tpu.memory_space<hbm>>
    %dma_start3A_2 = tpu.memref_squeeze %dma_start3A_1 : memref<1x100000xf32, #tpu.memory_space<hbm>> -> memref<100000xf32, #tpu.memory_space<hbm>>
    %dma_start3A_3 = arith.constant 0 : i32
    %dma_start3A_4 = tpu.memref_slice %arg2[%add3A, %dma_start3A_3] : memref<32x100000xf32, #tpu.memory_space<hbm>> -> memref<1x100000xf32, #tpu.memory_space<hbm>>
    %dma_start3A_5 = tpu.memref_squeeze %dma_start3A_4 : memref<1x100000xf32, #tpu.memory_space<hbm>> -> memref<100000xf32, #tpu.memory_space<hbm>>
    tpu.enqueue_dma source(%dma_start3A_5 : memref<100000xf32, #tpu.memory_space<hbm>>) target(%arg5 : memref<100000xf32, #tpu.memory_space<vmem>>) target_semaphore(%arg9 : memref<!tpu.dma_semaphore, #tpu.memory_space<semaphore_mem>>)
    tpu.enqueue_dma source(%arg3 : memref<16384xi32, #tpu.memory_space<hbm>>) target(%arg6 : memref<16384xi32, #tpu.memory_space<vmem>>) target_semaphore(%arg10 : memref<!tpu.dma_semaphore, #tpu.memory_space<semaphore_mem>>)
    tpu.wait_dma2 semaphore(%arg10 : memref<!tpu.dma_semaphore, #tpu.memory_space<semaphore_mem>>) src(%arg3 : memref<16384xi32, #tpu.memory_space<hbm>>) dst(%arg6 : memref<16384xi32, #tpu.memory_space<vmem>>)
    %dma_wait3A = arith.constant 0 : i32
    %dma_wait3A_6 = tpu.memref_slice %arg2[%add3A, %dma_wait3A] : memref<32x100000xf32, #tpu.memory_space<hbm>> -> memref<1x100000xf32, #tpu.memory_space<hbm>>
    %dma_wait3A_7 = tpu.memref_squeeze %dma_wait3A_6 : memref<1x100000xf32, #tpu.memory_space<hbm>> -> memref<100000xf32, #tpu.memory_space<hbm>>
    %dma_wait3A_8 = arith.constant 0 : i32
    %dma_wait3A_9 = tpu.memref_slice %arg2[%add3A, %dma_wait3A_8] : memref<32x100000xf32, #tpu.memory_space<hbm>> -> memref<1x100000xf32, #tpu.memory_space<hbm>>
    %dma_wait3A_10 = tpu.memref_squeeze %dma_wait3A_9 : memref<1x100000xf32, #tpu.memory_space<hbm>> -> memref<100000xf32, #tpu.memory_space<hbm>>
    tpu.wait_dma2 semaphore(%arg9 : memref<!tpu.dma_semaphore, #tpu.memory_space<semaphore_mem>>) src(%dma_wait3A_10 : memref<100000xf32, #tpu.memory_space<hbm>>) dst(%arg5 : memref<100000xf32, #tpu.memory_space<vmem>>)
    %scan3A = arith.constant 0 : i32
    %scan3A_11 = arith.constant 32 : i32
    %scan3A_12 = arith.addi %scan3A, %scan3A_11 : i32
    %scan3A_13 = arith.constant 1 : i32
    scf.for %scan3A_94 = %scan3A to %scan3A_12 step %scan3A_13  : i32 {
      %mul3A_95 = arith.constant 128 : i32
      %mul3A_96 = arith.muli %scan3A_94, %mul3A_95 : i32
      %add3A_97 = arith.constant 0 : i32
      %add3A_98 = arith.addi %add3A_97, %mul3A_96 : i32
      %add3A_99 = arith.constant 0 : i32
      %add3A_100 = arith.addi %add3A_98, %add3A_99 : i32
      %get3A = arith.index_cast %add3A_100 : i32 to index
      %get3A_101 = tpu.vector_load %arg6[%get3A] {strides = array<i32>} : memref<16384xi32, #tpu.memory_space<vmem>>, vector<16xi32>,
      %add3A_102 = arith.constant 16 : i32
      %add3A_103 = arith.addi %add3A_98, %add3A_102 : i32
      %get3A_104 = arith.index_cast %add3A_103 : i32 to index
      %get3A_105 = tpu.vector_load %arg6[%get3A_104] {strides = array<i32>} : memref<16384xi32, #tpu.memory_space<vmem>>, vector<16xi32>,
      %add3A_106 = arith.constant 32 : i32
      %add3A_107 = arith.addi %add3A_98, %add3A_106 : i32
      %get3A_108 = arith.index_cast %add3A_107 : i32 to index
      %get3A_109 = tpu.vector_load %arg6[%get3A_108] {strides = array<i32>} : memref<16384xi32, #tpu.memory_space<vmem>>, vector<16xi32>,
      %add3A_110 = arith.constant 48 : i32
      %add3A_111 = arith.addi %add3A_98, %add3A_110 : i32
      %get3A_112 = arith.index_cast %add3A_111 : i32 to index
      %get3A_113 = tpu.vector_load %arg6[%get3A_112] {strides = array<i32>} : memref<16384xi32, #tpu.memory_space<vmem>>, vector<16xi32>,
      %add3A_114 = arith.constant 64 : i32
      %add3A_115 = arith.addi %add3A_98, %add3A_114 : i32
      %get3A_116 = arith.index_cast %add3A_115 : i32 to index
      %get3A_117 = tpu.vector_load %arg6[%get3A_116] {strides = array<i32>} : memref<16384xi32, #tpu.memory_space<vmem>>, vector<16xi32>,
      %add3A_118 = arith.constant 80 : i32
      %add3A_119 = arith.addi %add3A_98, %add3A_118 : i32
      %get3A_120 = arith.index_cast %add3A_119 : i32 to index
      %get3A_121 = tpu.vector_load %arg6[%get3A_120] {strides = array<i32>} : memref<16384xi32, #tpu.memory_space<vmem>>, vector<16xi32>,
      %add3A_122 = arith.constant 96 : i32
      %add3A_123 = arith.addi %add3A_98, %add3A_122 : i32
      %get3A_124 = arith.index_cast %add3A_123 : i32 to index
      %get3A_125 = tpu.vector_load %arg6[%get3A_124] {strides = array<i32>} : memref<16384xi32, #tpu.memory_space<vmem>>, vector<16xi32>,
      %add3A_126 = arith.constant 112 : i32
      %add3A_127 = arith.addi %add3A_98, %add3A_126 : i32
      %get3A_128 = arith.index_cast %add3A_127 : i32 to index
      %get3A_129 = tpu.vector_load %arg6[%get3A_128] {strides = array<i32>} : memref<16384xi32, #tpu.memory_space<vmem>>, vector<16xi32>,
      %gather3A = tpu.vector_load_idx %arg5[%get3A_101] : memref<100000xf32, #tpu.memory_space<vmem>>[vector<16xi32>], vector<16xf32>,
      %gather3A_130 = tpu.vector_load_idx %arg5[%get3A_105] : memref<100000xf32, #tpu.memory_space<vmem>>[vector<16xi32>], vector<16xf32>,
      %gather3A_131 = tpu.vector_load_idx %arg5[%get3A_109] : memref<100000xf32, #tpu.memory_space<vmem>>[vector<16xi32>], vector<16xf32>,
      %gather3A_132 = tpu.vector_load_idx %arg5[%get3A_113] : memref<100000xf32, #tpu.memory_space<vmem>>[vector<16xi32>], vector<16xf32>,
      %gather3A_133 = tpu.vector_load_idx %arg5[%get3A_117] : memref<100000xf32, #tpu.memory_space<vmem>>[vector<16xi32>], vector<16xf32>,
      %gather3A_134 = tpu.vector_load_idx %arg5[%get3A_121] : memref<100000xf32, #tpu.memory_space<vmem>>[vector<16xi32>], vector<16xf32>,
      %gather3A_135 = tpu.vector_load_idx %arg5[%get3A_125] : memref<100000xf32, #tpu.memory_space<vmem>>[vector<16xi32>], vector<16xf32>,
      %gather3A_136 = tpu.vector_load_idx %arg5[%get3A_129] : memref<100000xf32, #tpu.memory_space<vmem>>[vector<16xi32>], vector<16xf32>,
      %swap3A = arith.index_cast %scan3A_94 : i32 to index
      %swap3A_137 = arith.constant 0 : index
      %swap3A_138 = tpu.vector_load %arg7[%swap3A, %swap3A_137] {strides = array<i32>} : memref<32x128xf32, #tpu.memory_space<vmem>>, vector<16xf32>,
      tpu.vector_store %arg7[%swap3A, %swap3A_137], %gather3A {strides = array<i32>} : memref<32x128xf32, #tpu.memory_space<vmem>>, vector<16xf32>,
      %swap3A_139 = arith.index_cast %scan3A_94 : i32 to index
      %swap3A_140 = arith.constant 16 : index
      %swap3A_141 = tpu.vector_load %arg7[%swap3A_139, %swap3A_140] {strides = array<i32>} : memref<32x128xf32, #tpu.memory_space<vmem>>, vector<16xf32>,
      tpu.vector_store %arg7[%swap3A_139, %swap3A_140], %gather3A_130 {strides = array<i32>} : memref<32x128xf32, #tpu.memory_space<vmem>>, vector<16xf32>,
      %swap3A_142 = arith.index_cast %scan3A_94 : i32 to index
      %swap3A_143 = arith.constant 32 : index
      %swap3A_144 = tpu.vector_load %arg7[%swap3A_142, %swap3A_143] {strides = array<i32>} : memref<32x128xf32, #tpu.memory_space<vmem>>, vector<16xf32>,
      tpu.vector_store %arg7[%swap3A_142, %swap3A_143], %gather3A_131 {strides = array<i32>} : memref<32x128xf32, #tpu.memory_space<vmem>>, vector<16xf32>,
      %swap3A_145 = arith.index_cast %scan3A_94 : i32 to index
      %swap3A_146 = arith.constant 48 : index
      %swap3A_147 = tpu.vector_load %arg7[%swap3A_145, %swap3A_146] {strides = array<i32>} : memref<32x128xf32, #tpu.memory_space<vmem>>, vector<16xf32>,
      tpu.vector_store %arg7[%swap3A_145, %swap3A_146], %gather3A_132 {strides = array<i32>} : memref<32x128xf32, #tpu.memory_space<vmem>>, vector<16xf32>,
      %swap3A_148 = arith.index_cast %scan3A_94 : i32 to index
      %swap3A_149 = arith.constant 64 : index
      %swap3A_150 = tpu.vector_load %arg7[%swap3A_148, %swap3A_149] {strides = array<i32>} : memref<32x128xf32, #tpu.memory_space<vmem>>, vector<16xf32>,
      tpu.vector_store %arg7[%swap3A_148, %swap3A_149], %gather3A_133 {strides = array<i32>} : memref<32x128xf32, #tpu.memory_space<vmem>>, vector<16xf32>,
      %swap3A_151 = arith.index_cast %scan3A_94 : i32 to index
      %swap3A_152 = arith.constant 80 : index
      %swap3A_153 = tpu.vector_load %arg7[%swap3A_151, %swap3A_152] {strides = array<i32>} : memref<32x128xf32, #tpu.memory_space<vmem>>, vector<16xf32>,
      tpu.vector_store %arg7[%swap3A_151, %swap3A_152], %gather3A_134 {strides = array<i32>} : memref<32x128xf32, #tpu.memory_space<vmem>>, vector<16xf32>,
      %swap3A_154 = arith.index_cast %scan3A_94 : i32 to index
      %swap3A_155 = arith.constant 96 : index
      %swap3A_156 = tpu.vector_load %arg7[%swap3A_154, %swap3A_155] {strides = array<i32>} : memref<32x128xf32, #tpu.memory_space<vmem>>, vector<16xf32>,
      tpu.vector_store %arg7[%swap3A_154, %swap3A_155], %gather3A_135 {strides = array<i32>} : memref<32x128xf32, #tpu.memory_space<vmem>>, vector<16xf32>,
      %swap3A_157 = arith.index_cast %scan3A_94 : i32 to index
      %swap3A_158 = arith.constant 112 : index
      %swap3A_159 = tpu.vector_load %arg7[%swap3A_157, %swap3A_158] {strides = array<i32>} : memref<32x128xf32, #tpu.memory_space<vmem>>, vector<16xf32>,
      tpu.vector_store %arg7[%swap3A_157, %swap3A_158], %gather3A_136 {strides = array<i32>} : memref<32x128xf32, #tpu.memory_space<vmem>>, vector<16xf32>,
    }
    %scan3A_14 = arith.constant 32 : i32
    %dma_start3A_15 = arith.constant 0 : i32
    %dma_start3A_16 = arith.constant 0 : i32
    %dma_start3A_17 = tpu.memref_slice %arg4[%add3A, %dma_start3A_15, %dma_start3A_16] : memref<32x128x128xf32, #tpu.memory_space<hbm>> -> memref<1x32x128xf32, #tpu.memory_space<hbm>>
    %dma_start3A_18 = tpu.memref_squeeze %dma_start3A_17 : memref<1x32x128xf32, #tpu.memory_space<hbm>> -> memref<32x128xf32, #tpu.memory_space<hbm>>
    %dma_start3A_19 = arith.constant 0 : i32
    %dma_start3A_20 = arith.constant 0 : i32
    %dma_start3A_21 = tpu.memref_slice %arg4[%add3A, %dma_start3A_19, %dma_start3A_20] : memref<32x128x128xf32, #tpu.memory_space<hbm>> -> memref<1x32x128xf32, #tpu.memory_space<hbm>>
    %dma_start3A_22 = tpu.memref_squeeze %dma_start3A_21 : memref<1x32x128xf32, #tpu.memory_space<hbm>> -> memref<32x128xf32, #tpu.memory_space<hbm>>
    tpu.enqueue_dma source(%arg7 : memref<32x128xf32, #tpu.memory_space<vmem>>) target(%dma_start3A_22 : memref<32x128xf32, #tpu.memory_space<hbm>>) target_semaphore(%arg11 : memref<!tpu.dma_semaphore, #tpu.memory_space<semaphore_mem>>)
    %scan3A_23 = arith.constant 0 : i32
    %scan3A_24 = arith.constant 32 : i32
    %scan3A_25 = arith.addi %scan3A_23, %scan3A_24 : i32
    %scan3A_26 = arith.constant 1 : i32
    scf.for %scan3A_94 = %scan3A_23 to %scan3A_25 step %scan3A_26  : i32 {
      %mul3A_95 = arith.constant 128 : i32
      %mul3A_96 = arith.muli %scan3A_94, %mul3A_95 : i32
      %add3A_97 = arith.constant 4096 : i32
      %add3A_98 = arith.addi %add3A_97, %mul3A_96 : i32
      %add3A_99 = arith.constant 0 : i32
      %add3A_100 = arith.addi %add3A_98, %add3A_99 : i32
      %get3A = arith.index_cast %add3A_100 : i32 to index
      %get3A_101 = tpu.vector_load %arg6[%get3A] {strides = array<i32>} : memref<16384xi32, #tpu.memory_space<vmem>>, vector<16xi32>,
      %add3A_102 = arith.constant 16 : i32
      %add3A_103 = arith.addi %add3A_98, %add3A_102 : i32
      %get3A_104 = arith.index_cast %add3A_103 : i32 to index
      %get3A_105 = tpu.vector_load %arg6[%get3A_104] {strides = array<i32>} : memref<16384xi32, #tpu.memory_space<vmem>>, vector<16xi32>,
      %add3A_106 = arith.constant 32 : i32
      %add3A_107 = arith.addi %add3A_98, %add3A_106 : i32
      %get3A_108 = arith.index_cast %add3A_107 : i32 to index
      %get3A_109 = tpu.vector_load %arg6[%get3A_108] {strides = array<i32>} : memref<16384xi32, #tpu.memory_space<vmem>>, vector<16xi32>,
      %add3A_110 = arith.constant 48 : i32
      %add3A_111 = arith.addi %add3A_98, %add3A_110 : i32
      %get3A_112 = arith.index_cast %add3A_111 : i32 to index
      %get3A_113 = tpu.vector_load %arg6[%get3A_112] {strides = array<i32>} : memref<16384xi32, #tpu.memory_space<vmem>>, vector<16xi32>,
      %add3A_114 = arith.constant 64 : i32
      %add3A_115 = arith.addi %add3A_98, %add3A_114 : i32
      %get3A_116 = arith.index_cast %add3A_115 : i32 to index
      %get3A_117 = tpu.vector_load %arg6[%get3A_116] {strides = array<i32>} : memref<16384xi32, #tpu.memory_space<vmem>>, vector<16xi32>,
      %add3A_118 = arith.constant 80 : i32
      %add3A_119 = arith.addi %add3A_98, %add3A_118 : i32
      %get3A_120 = arith.index_cast %add3A_119 : i32 to index
      %get3A_121 = tpu.vector_load %arg6[%get3A_120] {strides = array<i32>} : memref<16384xi32, #tpu.memory_space<vmem>>, vector<16xi32>,
      %add3A_122 = arith.constant 96 : i32
      %add3A_123 = arith.addi %add3A_98, %add3A_122 : i32
      %get3A_124 = arith.index_cast %add3A_123 : i32 to index
      %get3A_125 = tpu.vector_load %arg6[%get3A_124] {strides = array<i32>} : memref<16384xi32, #tpu.memory_space<vmem>>, vector<16xi32>,
      %add3A_126 = arith.constant 112 : i32
      %add3A_127 = arith.addi %add3A_98, %add3A_126 : i32
      %get3A_128 = arith.index_cast %add3A_127 : i32 to index
      %get3A_129 = tpu.vector_load %arg6[%get3A_128] {strides = array<i32>} : memref<16384xi32, #tpu.memory_space<vmem>>, vector<16xi32>,
      %gather3A = tpu.vector_load_idx %arg5[%get3A_101] : memref<100000xf32, #tpu.memory_space<vmem>>[vector<16xi32>], vector<16xf32>,
      %gather3A_130 = tpu.vector_load_idx %arg5[%get3A_105] : memref<100000xf32, #tpu.memory_space<vmem>>[vector<16xi32>], vector<16xf32>,
      %gather3A_131 = tpu.vector_load_idx %arg5[%get3A_109] : memref<100000xf32, #tpu.memory_space<vmem>>[vector<16xi32>], vector<16xf32>,
      %gather3A_132 = tpu.vector_load_idx %arg5[%get3A_113] : memref<100000xf32, #tpu.memory_space<vmem>>[vector<16xi32>], vector<16xf32>,
      %gather3A_133 = tpu.vector_load_idx %arg5[%get3A_117] : memref<100000xf32, #tpu.memory_space<vmem>>[vector<16xi32>], vector<16xf32>,
      %gather3A_134 = tpu.vector_load_idx %arg5[%get3A_121] : memref<100000xf32, #tpu.memory_space<vmem>>[vector<16xi32>], vector<16xf32>,
      %gather3A_135 = tpu.vector_load_idx %arg5[%get3A_125] : memref<100000xf32, #tpu.memory_space<vmem>>[vector<16xi32>], vector<16xf32>,
      %gather3A_136 = tpu.vector_load_idx %arg5[%get3A_129] : memref<100000xf32, #tpu.memory_space<vmem>>[vector<16xi32>], vector<16xf32>,
      %swap3A = arith.index_cast %scan3A_94 : i32 to index
      %swap3A_137 = arith.constant 0 : index
      %swap3A_138 = tpu.vector_load %arg8[%swap3A, %swap3A_137] {strides = array<i32>} : memref<32x128xf32, #tpu.memory_space<vmem>>, vector<16xf32>,
      tpu.vector_store %arg8[%swap3A, %swap3A_137], %gather3A {strides = array<i32>} : memref<32x128xf32, #tpu.memory_space<vmem>>, vector<16xf32>,
      %swap3A_139 = arith.index_cast %scan3A_94 : i32 to index
      %swap3A_140 = arith.constant 16 : index
      %swap3A_141 = tpu.vector_load %arg8[%swap3A_139, %swap3A_140] {strides = array<i32>} : memref<32x128xf32, #tpu.memory_space<vmem>>, vector<16xf32>,
      tpu.vector_store %arg8[%swap3A_139, %swap3A_140], %gather3A_130 {strides = array<i32>} : memref<32x128xf32, #tpu.memory_space<vmem>>, vector<16xf32>,
      %swap3A_142 = arith.index_cast %scan3A_94 : i32 to index
      %swap3A_143 = arith.constant 32 : index
      %swap3A_144 = tpu.vector_load %arg8[%swap3A_142, %swap3A_143] {strides = array<i32>} : memref<32x128xf32, #tpu.memory_space<vmem>>, vector<16xf32>,
      tpu.vector_store %arg8[%swap3A_142, %swap3A_143], %gather3A_131 {strides = array<i32>} : memref<32x128xf32, #tpu.memory_space<vmem>>, vector<16xf32>,
      %swap3A_145 = arith.index_cast %scan3A_94 : i32 to index
      %swap3A_146 = arith.constant 48 : index
      %swap3A_147 = tpu.vector_load %arg8[%swap3A_145, %swap3A_146] {strides = array<i32>} : memref<32x128xf32, #tpu.memory_space<vmem>>, vector<16xf32>,
      tpu.vector_store %arg8[%swap3A_145, %swap3A_146], %gather3A_132 {strides = array<i32>} : memref<32x128xf32, #tpu.memory_space<vmem>>, vector<16xf32>,
      %swap3A_148 = arith.index_cast %scan3A_94 : i32 to index
      %swap3A_149 = arith.constant 64 : index
      %swap3A_150 = tpu.vector_load %arg8[%swap3A_148, %swap3A_149] {strides = array<i32>} : memref<32x128xf32, #tpu.memory_space<vmem>>, vector<16xf32>,
      tpu.vector_store %arg8[%swap3A_148, %swap3A_149], %gather3A_133 {strides = array<i32>} : memref<32x128xf32, #tpu.memory_space<vmem>>, vector<16xf32>,
      %swap3A_151 = arith.index_cast %scan3A_94 : i32 to index
      %swap3A_152 = arith.constant 80 : index
      %swap3A_153 = tpu.vector_load %arg8[%swap3A_151, %swap3A_152] {strides = array<i32>} : memref<32x128xf32, #tpu.memory_space<vmem>>, vector<16xf32>,
      tpu.vector_store %arg8[%swap3A_151, %swap3A_152], %gather3A_134 {strides = array<i32>} : memref<32x128xf32, #tpu.memory_space<vmem>>, vector<16xf32>,
      %swap3A_154 = arith.index_cast %scan3A_94 : i32 to index
      %swap3A_155 = arith.constant 96 : index
      %swap3A_156 = tpu.vector_load %arg8[%swap3A_154, %swap3A_155] {strides = array<i32>} : memref<32x128xf32, #tpu.memory_space<vmem>>, vector<16xf32>,
      tpu.vector_store %arg8[%swap3A_154, %swap3A_155], %gather3A_135 {strides = array<i32>} : memref<32x128xf32, #tpu.memory_space<vmem>>, vector<16xf32>,
      %swap3A_157 = arith.index_cast %scan3A_94 : i32 to index
      %swap3A_158 = arith.constant 112 : index
      %swap3A_159 = tpu.vector_load %arg8[%swap3A_157, %swap3A_158] {strides = array<i32>} : memref<32x128xf32, #tpu.memory_space<vmem>>, vector<16xf32>,
      tpu.vector_store %arg8[%swap3A_157, %swap3A_158], %gather3A_136 {strides = array<i32>} : memref<32x128xf32, #tpu.memory_space<vmem>>, vector<16xf32>,
    }
    %scan3A_27 = arith.constant 32 : i32
    %dma_start3A_28 = arith.constant 32 : i32
    %dma_start3A_29 = arith.constant 0 : i32
    %dma_start3A_30 = tpu.memref_slice %arg4[%add3A, %dma_start3A_28, %dma_start3A_29] : memref<32x128x128xf32, #tpu.memory_space<hbm>> -> memref<1x32x128xf32, #tpu.memory_space<hbm>>
    %dma_start3A_31 = tpu.memref_squeeze %dma_start3A_30 : memref<1x32x128xf32, #tpu.memory_space<hbm>> -> memref<32x128xf32, #tpu.memory_space<hbm>>
    %dma_start3A_32 = arith.constant 32 : i32
    %dma_start3A_33 = arith.constant 0 : i32
    %dma_start3A_34 = tpu.memref_slice %arg4[%add3A, %dma_start3A_32, %dma_start3A_33] : memref<32x128x128xf32, #tpu.memory_space<hbm>> -> memref<1x32x128xf32, #tpu.memory_space<hbm>>
    %dma_start3A_35 = tpu.memref_squeeze %dma_start3A_34 : memref<1x32x128xf32, #tpu.memory_space<hbm>> -> memref<32x128xf32, #tpu.memory_space<hbm>>
    tpu.enqueue_dma source(%arg8 : memref<32x128xf32, #tpu.memory_space<vmem>>) target(%dma_start3A_35 : memref<32x128xf32, #tpu.memory_space<hbm>>) target_semaphore(%arg11 : memref<!tpu.dma_semaphore, #tpu.memory_space<semaphore_mem>>)
    %dma_wait3A_36 = arith.constant 0 : i32
    %dma_wait3A_37 = arith.constant 0 : i32
    %dma_wait3A_38 = tpu.memref_slice %arg4[%add3A, %dma_wait3A_36, %dma_wait3A_37] : memref<32x128x128xf32, #tpu.memory_space<hbm>> -> memref<1x32x128xf32, #tpu.memory_space<hbm>>
    %dma_wait3A_39 = tpu.memref_squeeze %dma_wait3A_38 : memref<1x32x128xf32, #tpu.memory_space<hbm>> -> memref<32x128xf32, #tpu.memory_space<hbm>>
    %dma_wait3A_40 = arith.constant 0 : i32
    %dma_wait3A_41 = arith.constant 0 : i32
    %dma_wait3A_42 = tpu.memref_slice %arg4[%add3A, %dma_wait3A_40, %dma_wait3A_41] : memref<32x128x128xf32, #tpu.memory_space<hbm>> -> memref<1x32x128xf32, #tpu.memory_space<hbm>>
    %dma_wait3A_43 = tpu.memref_squeeze %dma_wait3A_42 : memref<1x32x128xf32, #tpu.memory_space<hbm>> -> memref<32x128xf32, #tpu.memory_space<hbm>>
    tpu.wait_dma2 semaphore(%arg11 : memref<!tpu.dma_semaphore, #tpu.memory_space<semaphore_mem>>) src(%arg7 : memref<32x128xf32, #tpu.memory_space<vmem>>) dst(%dma_wait3A_43 : memref<32x128xf32, #tpu.memory_space<hbm>>)
    %scan3A_44 = arith.constant 0 : i32
    %scan3A_45 = arith.constant 32 : i32
    %scan3A_46 = arith.addi %scan3A_44, %scan3A_45 : i32
    %scan3A_47 = arith.constant 1 : i32
    scf.for %scan3A_94 = %scan3A_44 to %scan3A_46 step %scan3A_47  : i32 {
      %mul3A_95 = arith.constant 128 : i32
      %mul3A_96 = arith.muli %scan3A_94, %mul3A_95 : i32
      %add3A_97 = arith.constant 8192 : i32
      %add3A_98 = arith.addi %add3A_97, %mul3A_96 : i32
      %add3A_99 = arith.constant 0 : i32
      %add3A_100 = arith.addi %add3A_98, %add3A_99 : i32
      %get3A = arith.index_cast %add3A_100 : i32 to index
      %get3A_101 = tpu.vector_load %arg6[%get3A] {strides = array<i32>} : memref<16384xi32, #tpu.memory_space<vmem>>, vector<16xi32>,
      %add3A_102 = arith.constant 16 : i32
      %add3A_103 = arith.addi %add3A_98, %add3A_102 : i32
      %get3A_104 = arith.index_cast %add3A_103 : i32 to index
      %get3A_105 = tpu.vector_load %arg6[%get3A_104] {strides = array<i32>} : memref<16384xi32, #tpu.memory_space<vmem>>, vector<16xi32>,
      %add3A_106 = arith.constant 32 : i32
      %add3A_107 = arith.addi %add3A_98, %add3A_106 : i32
      %get3A_108 = arith.index_cast %add3A_107 : i32 to index
      %get3A_109 = tpu.vector_load %arg6[%get3A_108] {strides = array<i32>} : memref<16384xi32, #tpu.memory_space<vmem>>, vector<16xi32>,
      %add3A_110 = arith.constant 48 : i32
      %add3A_111 = arith.addi %add3A_98, %add3A_110 : i32
      %get3A_112 = arith.index_cast %add3A_111 : i32 to index
      %get3A_113 = tpu.vector_load %arg6[%get3A_112] {strides = array<i32>} : memref<16384xi32, #tpu.memory_space<vmem>>, vector<16xi32>,
      %add3A_114 = arith.constant 64 : i32
      %add3A_115 = arith.addi %add3A_98, %add3A_114 : i32
      %get3A_116 = arith.index_cast %add3A_115 : i32 to index
      %get3A_117 = tpu.vector_load %arg6[%get3A_116] {strides = array<i32>} : memref<16384xi32, #tpu.memory_space<vmem>>, vector<16xi32>,
      %add3A_118 = arith.constant 80 : i32
      %add3A_119 = arith.addi %add3A_98, %add3A_118 : i32
      %get3A_120 = arith.index_cast %add3A_119 : i32 to index
      %get3A_121 = tpu.vector_load %arg6[%get3A_120] {strides = array<i32>} : memref<16384xi32, #tpu.memory_space<vmem>>, vector<16xi32>,
      %add3A_122 = arith.constant 96 : i32
      %add3A_123 = arith.addi %add3A_98, %add3A_122 : i32
      %get3A_124 = arith.index_cast %add3A_123 : i32 to index
      %get3A_125 = tpu.vector_load %arg6[%get3A_124] {strides = array<i32>} : memref<16384xi32, #tpu.memory_space<vmem>>, vector<16xi32>,
      %add3A_126 = arith.constant 112 : i32
      %add3A_127 = arith.addi %add3A_98, %add3A_126 : i32
      %get3A_128 = arith.index_cast %add3A_127 : i32 to index
      %get3A_129 = tpu.vector_load %arg6[%get3A_128] {strides = array<i32>} : memref<16384xi32, #tpu.memory_space<vmem>>, vector<16xi32>,
      %gather3A = tpu.vector_load_idx %arg5[%get3A_101] : memref<100000xf32, #tpu.memory_space<vmem>>[vector<16xi32>], vector<16xf32>,
      %gather3A_130 = tpu.vector_load_idx %arg5[%get3A_105] : memref<100000xf32, #tpu.memory_space<vmem>>[vector<16xi32>], vector<16xf32>,
      %gather3A_131 = tpu.vector_load_idx %arg5[%get3A_109] : memref<100000xf32, #tpu.memory_space<vmem>>[vector<16xi32>], vector<16xf32>,
      %gather3A_132 = tpu.vector_load_idx %arg5[%get3A_113] : memref<100000xf32, #tpu.memory_space<vmem>>[vector<16xi32>], vector<16xf32>,
      %gather3A_133 = tpu.vector_load_idx %arg5[%get3A_117] : memref<100000xf32, #tpu.memory_space<vmem>>[vector<16xi32>], vector<16xf32>,
      %gather3A_134 = tpu.vector_load_idx %arg5[%get3A_121] : memref<100000xf32, #tpu.memory_space<vmem>>[vector<16xi32>], vector<16xf32>,
      %gather3A_135 = tpu.vector_load_idx %arg5[%get3A_125] : memref<100000xf32, #tpu.memory_space<vmem>>[vector<16xi32>], vector<16xf32>,
      %gather3A_136 = tpu.vector_load_idx %arg5[%get3A_129] : memref<100000xf32, #tpu.memory_space<vmem>>[vector<16xi32>], vector<16xf32>,
      %swap3A = arith.index_cast %scan3A_94 : i32 to index
      %swap3A_137 = arith.constant 0 : index
      %swap3A_138 = tpu.vector_load %arg7[%swap3A, %swap3A_137] {strides = array<i32>} : memref<32x128xf32, #tpu.memory_space<vmem>>, vector<16xf32>,
      tpu.vector_store %arg7[%swap3A, %swap3A_137], %gather3A {strides = array<i32>} : memref<32x128xf32, #tpu.memory_space<vmem>>, vector<16xf32>,
      %swap3A_139 = arith.index_cast %scan3A_94 : i32 to index
      %swap3A_140 = arith.constant 16 : index
      %swap3A_141 = tpu.vector_load %arg7[%swap3A_139, %swap3A_140] {strides = array<i32>} : memref<32x128xf32, #tpu.memory_space<vmem>>, vector<16xf32>,
      tpu.vector_store %arg7[%swap3A_139, %swap3A_140], %gather3A_130 {strides = array<i32>} : memref<32x128xf32, #tpu.memory_space<vmem>>, vector<16xf32>,
      %swap3A_142 = arith.index_cast %scan3A_94 : i32 to index
      %swap3A_143 = arith.constant 32 : index
      %swap3A_144 = tpu.vector_load %arg7[%swap3A_142, %swap3A_143] {strides = array<i32>} : memref<32x128xf32, #tpu.memory_space<vmem>>, vector<16xf32>,
      tpu.vector_store %arg7[%swap3A_142, %swap3A_143], %gather3A_131 {strides = array<i32>} : memref<32x128xf32, #tpu.memory_space<vmem>>, vector<16xf32>,
      %swap3A_145 = arith.index_cast %scan3A_94 : i32 to index
      %swap3A_146 = arith.constant 48 : index
      %swap3A_147 = tpu.vector_load %arg7[%swap3A_145, %swap3A_146] {strides = array<i32>} : memref<32x128xf32, #tpu.memory_space<vmem>>, vector<16xf32>,
      tpu.vector_store %arg7[%swap3A_145, %swap3A_146], %gather3A_132 {strides = array<i32>} : memref<32x128xf32, #tpu.memory_space<vmem>>, vector<16xf32>,
      %swap3A_148 = arith.index_cast %scan3A_94 : i32 to index
      %swap3A_149 = arith.constant 64 : index
      %swap3A_150 = tpu.vector_load %arg7[%swap3A_148, %swap3A_149] {strides = array<i32>} : memref<32x128xf32, #tpu.memory_space<vmem>>, vector<16xf32>,
      tpu.vector_store %arg7[%swap3A_148, %swap3A_149], %gather3A_133 {strides = array<i32>} : memref<32x128xf32, #tpu.memory_space<vmem>>, vector<16xf32>,
      %swap3A_151 = arith.index_cast %scan3A_94 : i32 to index
      %swap3A_152 = arith.constant 80 : index
      %swap3A_153 = tpu.vector_load %arg7[%swap3A_151, %swap3A_152] {strides = array<i32>} : memref<32x128xf32, #tpu.memory_space<vmem>>, vector<16xf32>,
      tpu.vector_store %arg7[%swap3A_151, %swap3A_152], %gather3A_134 {strides = array<i32>} : memref<32x128xf32, #tpu.memory_space<vmem>>, vector<16xf32>,
      %swap3A_154 = arith.index_cast %scan3A_94 : i32 to index
      %swap3A_155 = arith.constant 96 : index
      %swap3A_156 = tpu.vector_load %arg7[%swap3A_154, %swap3A_155] {strides = array<i32>} : memref<32x128xf32, #tpu.memory_space<vmem>>, vector<16xf32>,
      tpu.vector_store %arg7[%swap3A_154, %swap3A_155], %gather3A_135 {strides = array<i32>} : memref<32x128xf32, #tpu.memory_space<vmem>>, vector<16xf32>,
      %swap3A_157 = arith.index_cast %scan3A_94 : i32 to index
      %swap3A_158 = arith.constant 112 : index
      %swap3A_159 = tpu.vector_load %arg7[%swap3A_157, %swap3A_158] {strides = array<i32>} : memref<32x128xf32, #tpu.memory_space<vmem>>, vector<16xf32>,
      tpu.vector_store %arg7[%swap3A_157, %swap3A_158], %gather3A_136 {strides = array<i32>} : memref<32x128xf32, #tpu.memory_space<vmem>>, vector<16xf32>,
    }
    %scan3A_48 = arith.constant 32 : i32
    %dma_start3A_49 = arith.constant 64 : i32
    %dma_start3A_50 = arith.constant 0 : i32
    %dma_start3A_51 = tpu.memref_slice %arg4[%add3A, %dma_start3A_49, %dma_start3A_50] : memref<32x128x128xf32, #tpu.memory_space<hbm>> -> memref<1x32x128xf32, #tpu.memory_space<hbm>>
    %dma_start3A_52 = tpu.memref_squeeze %dma_start3A_51 : memref<1x32x128xf32, #tpu.memory_space<hbm>> -> memref<32x128xf32, #tpu.memory_space<hbm>>
    %dma_start3A_53 = arith.constant 64 : i32
    %dma_start3A_54 = arith.constant 0 : i32
    %dma_start3A_55 = tpu.memref_slice %arg4[%add3A, %dma_start3A_53, %dma_start3A_54] : memref<32x128x128xf32, #tpu.memory_space<hbm>> -> memref<1x32x128xf32, #tpu.memory_space<hbm>>
    %dma_start3A_56 = tpu.memref_squeeze %dma_start3A_55 : memref<1x32x128xf32, #tpu.memory_space<hbm>> -> memref<32x128xf32, #tpu.memory_space<hbm>>
    tpu.enqueue_dma source(%arg7 : memref<32x128xf32, #tpu.memory_space<vmem>>) target(%dma_start3A_56 : memref<32x128xf32, #tpu.memory_space<hbm>>) target_semaphore(%arg11 : memref<!tpu.dma_semaphore, #tpu.memory_space<semaphore_mem>>)
    %dma_wait3A_57 = arith.constant 32 : i32
    %dma_wait3A_58 = arith.constant 0 : i32
    %dma_wait3A_59 = tpu.memref_slice %arg4[%add3A, %dma_wait3A_57, %dma_wait3A_58] : memref<32x128x128xf32, #tpu.memory_space<hbm>> -> memref<1x32x128xf32, #tpu.memory_space<hbm>>
    %dma_wait3A_60 = tpu.memref_squeeze %dma_wait3A_59 : memref<1x32x128xf32, #tpu.memory_space<hbm>> -> memref<32x128xf32, #tpu.memory_space<hbm>>
    %dma_wait3A_61 = arith.constant 32 : i32
    %dma_wait3A_62 = arith.constant 0 : i32
    %dma_wait3A_63 = tpu.memref_slice %arg4[%add3A, %dma_wait3A_61, %dma_wait3A_62] : memref<32x128x128xf32, #tpu.memory_space<hbm>> -> memref<1x32x128xf32, #tpu.memory_space<hbm>>
    %dma_wait3A_64 = tpu.memref_squeeze %dma_wait3A_63 : memref<1x32x128xf32, #tpu.memory_space<hbm>> -> memref<32x128xf32, #tpu.memory_space<hbm>>
    tpu.wait_dma2 semaphore(%arg11 : memref<!tpu.dma_semaphore, #tpu.memory_space<semaphore_mem>>) src(%arg8 : memref<32x128xf32, #tpu.memory_space<vmem>>) dst(%dma_wait3A_64 : memref<32x128xf32, #tpu.memory_space<hbm>>)
    %scan3A_65 = arith.constant 0 : i32
    %scan3A_66 = arith.constant 32 : i32
    %scan3A_67 = arith.addi %scan3A_65, %scan3A_66 : i32
    %scan3A_68 = arith.constant 1 : i32
    scf.for %scan3A_94 = %scan3A_65 to %scan3A_67 step %scan3A_68  : i32 {
      %mul3A_95 = arith.constant 128 : i32
      %mul3A_96 = arith.muli %scan3A_94, %mul3A_95 : i32
      %add3A_97 = arith.constant 12288 : i32
      %add3A_98 = arith.addi %add3A_97, %mul3A_96 : i32
      %add3A_99 = arith.constant 0 : i32
      %add3A_100 = arith.addi %add3A_98, %add3A_99 : i32
      %get3A = arith.index_cast %add3A_100 : i32 to index
      %get3A_101 = tpu.vector_load %arg6[%get3A] {strides = array<i32>} : memref<16384xi32, #tpu.memory_space<vmem>>, vector<16xi32>,
      %add3A_102 = arith.constant 16 : i32
      %add3A_103 = arith.addi %add3A_98, %add3A_102 : i32
      %get3A_104 = arith.index_cast %add3A_103 : i32 to index
      %get3A_105 = tpu.vector_load %arg6[%get3A_104] {strides = array<i32>} : memref<16384xi32, #tpu.memory_space<vmem>>, vector<16xi32>,
      %add3A_106 = arith.constant 32 : i32
      %add3A_107 = arith.addi %add3A_98, %add3A_106 : i32
      %get3A_108 = arith.index_cast %add3A_107 : i32 to index
      %get3A_109 = tpu.vector_load %arg6[%get3A_108] {strides = array<i32>} : memref<16384xi32, #tpu.memory_space<vmem>>, vector<16xi32>,
      %add3A_110 = arith.constant 48 : i32
      %add3A_111 = arith.addi %add3A_98, %add3A_110 : i32
      %get3A_112 = arith.index_cast %add3A_111 : i32 to index
      %get3A_113 = tpu.vector_load %arg6[%get3A_112] {strides = array<i32>} : memref<16384xi32, #tpu.memory_space<vmem>>, vector<16xi32>,
      %add3A_114 = arith.constant 64 : i32
      %add3A_115 = arith.addi %add3A_98, %add3A_114 : i32
      %get3A_116 = arith.index_cast %add3A_115 : i32 to index
      %get3A_117 = tpu.vector_load %arg6[%get3A_116] {strides = array<i32>} : memref<16384xi32, #tpu.memory_space<vmem>>, vector<16xi32>,
      %add3A_118 = arith.constant 80 : i32
      %add3A_119 = arith.addi %add3A_98, %add3A_118 : i32
      %get3A_120 = arith.index_cast %add3A_119 : i32 to index
      %get3A_121 = tpu.vector_load %arg6[%get3A_120] {strides = array<i32>} : memref<16384xi32, #tpu.memory_space<vmem>>, vector<16xi32>,
      %add3A_122 = arith.constant 96 : i32
      %add3A_123 = arith.addi %add3A_98, %add3A_122 : i32
      %get3A_124 = arith.index_cast %add3A_123 : i32 to index
      %get3A_125 = tpu.vector_load %arg6[%get3A_124] {strides = array<i32>} : memref<16384xi32, #tpu.memory_space<vmem>>, vector<16xi32>,
      %add3A_126 = arith.constant 112 : i32
      %add3A_127 = arith.addi %add3A_98, %add3A_126 : i32
      %get3A_128 = arith.index_cast %add3A_127 : i32 to index
      %get3A_129 = tpu.vector_load %arg6[%get3A_128] {strides = array<i32>} : memref<16384xi32, #tpu.memory_space<vmem>>, vector<16xi32>,
      %gather3A = tpu.vector_load_idx %arg5[%get3A_101] : memref<100000xf32, #tpu.memory_space<vmem>>[vector<16xi32>], vector<16xf32>,
      %gather3A_130 = tpu.vector_load_idx %arg5[%get3A_105] : memref<100000xf32, #tpu.memory_space<vmem>>[vector<16xi32>], vector<16xf32>,
      %gather3A_131 = tpu.vector_load_idx %arg5[%get3A_109] : memref<100000xf32, #tpu.memory_space<vmem>>[vector<16xi32>], vector<16xf32>,
      %gather3A_132 = tpu.vector_load_idx %arg5[%get3A_113] : memref<100000xf32, #tpu.memory_space<vmem>>[vector<16xi32>], vector<16xf32>,
      %gather3A_133 = tpu.vector_load_idx %arg5[%get3A_117] : memref<100000xf32, #tpu.memory_space<vmem>>[vector<16xi32>], vector<16xf32>,
      %gather3A_134 = tpu.vector_load_idx %arg5[%get3A_121] : memref<100000xf32, #tpu.memory_space<vmem>>[vector<16xi32>], vector<16xf32>,
      %gather3A_135 = tpu.vector_load_idx %arg5[%get3A_125] : memref<100000xf32, #tpu.memory_space<vmem>>[vector<16xi32>], vector<16xf32>,
      %gather3A_136 = tpu.vector_load_idx %arg5[%get3A_129] : memref<100000xf32, #tpu.memory_space<vmem>>[vector<16xi32>], vector<16xf32>,
      %swap3A = arith.index_cast %scan3A_94 : i32 to index
      %swap3A_137 = arith.constant 0 : index
      %swap3A_138 = tpu.vector_load %arg8[%swap3A, %swap3A_137] {strides = array<i32>} : memref<32x128xf32, #tpu.memory_space<vmem>>, vector<16xf32>,
      tpu.vector_store %arg8[%swap3A, %swap3A_137], %gather3A {strides = array<i32>} : memref<32x128xf32, #tpu.memory_space<vmem>>, vector<16xf32>,
      %swap3A_139 = arith.index_cast %scan3A_94 : i32 to index
      %swap3A_140 = arith.constant 16 : index
      %swap3A_141 = tpu.vector_load %arg8[%swap3A_139, %swap3A_140] {strides = array<i32>} : memref<32x128xf32, #tpu.memory_space<vmem>>, vector<16xf32>,
      tpu.vector_store %arg8[%swap3A_139, %swap3A_140], %gather3A_130 {strides = array<i32>} : memref<32x128xf32, #tpu.memory_space<vmem>>, vector<16xf32>,
      %swap3A_142 = arith.index_cast %scan3A_94 : i32 to index
      %swap3A_143 = arith.constant 32 : index
      %swap3A_144 = tpu.vector_load %arg8[%swap3A_142, %swap3A_143] {strides = array<i32>} : memref<32x128xf32, #tpu.memory_space<vmem>>, vector<16xf32>,
      tpu.vector_store %arg8[%swap3A_142, %swap3A_143], %gather3A_131 {strides = array<i32>} : memref<32x128xf32, #tpu.memory_space<vmem>>, vector<16xf32>,
      %swap3A_145 = arith.index_cast %scan3A_94 : i32 to index
      %swap3A_146 = arith.constant 48 : index
      %swap3A_147 = tpu.vector_load %arg8[%swap3A_145, %swap3A_146] {strides = array<i32>} : memref<32x128xf32, #tpu.memory_space<vmem>>, vector<16xf32>,
      tpu.vector_store %arg8[%swap3A_145, %swap3A_146], %gather3A_132 {strides = array<i32>} : memref<32x128xf32, #tpu.memory_space<vmem>>, vector<16xf32>,
      %swap3A_148 = arith.index_cast %scan3A_94 : i32 to index
      %swap3A_149 = arith.constant 64 : index
      %swap3A_150 = tpu.vector_load %arg8[%swap3A_148, %swap3A_149] {strides = array<i32>} : memref<32x128xf32, #tpu.memory_space<vmem>>, vector<16xf32>,
      tpu.vector_store %arg8[%swap3A_148, %swap3A_149], %gather3A_133 {strides = array<i32>} : memref<32x128xf32, #tpu.memory_space<vmem>>, vector<16xf32>,
      %swap3A_151 = arith.index_cast %scan3A_94 : i32 to index
      %swap3A_152 = arith.constant 80 : index
      %swap3A_153 = tpu.vector_load %arg8[%swap3A_151, %swap3A_152] {strides = array<i32>} : memref<32x128xf32, #tpu.memory_space<vmem>>, vector<16xf32>,
      tpu.vector_store %arg8[%swap3A_151, %swap3A_152], %gather3A_134 {strides = array<i32>} : memref<32x128xf32, #tpu.memory_space<vmem>>, vector<16xf32>,
      %swap3A_154 = arith.index_cast %scan3A_94 : i32 to index
      %swap3A_155 = arith.constant 96 : index
      %swap3A_156 = tpu.vector_load %arg8[%swap3A_154, %swap3A_155] {strides = array<i32>} : memref<32x128xf32, #tpu.memory_space<vmem>>, vector<16xf32>,
      tpu.vector_store %arg8[%swap3A_154, %swap3A_155], %gather3A_135 {strides = array<i32>} : memref<32x128xf32, #tpu.memory_space<vmem>>, vector<16xf32>,
      %swap3A_157 = arith.index_cast %scan3A_94 : i32 to index
      %swap3A_158 = arith.constant 112 : index
      %swap3A_159 = tpu.vector_load %arg8[%swap3A_157, %swap3A_158] {strides = array<i32>} : memref<32x128xf32, #tpu.memory_space<vmem>>, vector<16xf32>,
      tpu.vector_store %arg8[%swap3A_157, %swap3A_158], %gather3A_136 {strides = array<i32>} : memref<32x128xf32, #tpu.memory_space<vmem>>, vector<16xf32>,
    }
    %scan3A_69 = arith.constant 32 : i32
    %dma_start3A_70 = arith.constant 96 : i32
    %dma_start3A_71 = arith.constant 0 : i32
    %dma_start3A_72 = tpu.memref_slice %arg4[%add3A, %dma_start3A_70, %dma_start3A_71] : memref<32x128x128xf32, #tpu.memory_space<hbm>> -> memref<1x32x128xf32, #tpu.memory_space<hbm>>
    %dma_start3A_73 = tpu.memref_squeeze %dma_start3A_72 : memref<1x32x128xf32, #tpu.memory_space<hbm>> -> memref<32x128xf32, #tpu.memory_space<hbm>>
    %dma_start3A_74 = arith.constant 96 : i32
    %dma_start3A_75 = arith.constant 0 : i32
    %dma_start3A_76 = tpu.memref_slice %arg4[%add3A, %dma_start3A_74, %dma_start3A_75] : memref<32x128x128xf32, #tpu.memory_space<hbm>> -> memref<1x32x128xf32, #tpu.memory_space<hbm>>
    %dma_start3A_77 = tpu.memref_squeeze %dma_start3A_76 : memref<1x32x128xf32, #tpu.memory_space<hbm>> -> memref<32x128xf32, #tpu.memory_space<hbm>>
    tpu.enqueue_dma source(%arg8 : memref<32x128xf32, #tpu.memory_space<vmem>>) target(%dma_start3A_77 : memref<32x128xf32, #tpu.memory_space<hbm>>) target_semaphore(%arg11 : memref<!tpu.dma_semaphore, #tpu.memory_space<semaphore_mem>>)
    %dma_wait3A_78 = arith.constant 64 : i32
    %dma_wait3A_79 = arith.constant 0 : i32
    %dma_wait3A_80 = tpu.memref_slice %arg4[%add3A, %dma_wait3A_78, %dma_wait3A_79] : memref<32x128x128xf32, #tpu.memory_space<hbm>> -> memref<1x32x128xf32, #tpu.memory_space<hbm>>
    %dma_wait3A_81 = tpu.memref_squeeze %dma_wait3A_80 : memref<1x32x128xf32, #tpu.memory_space<hbm>> -> memref<32x128xf32, #tpu.memory_space<hbm>>
    %dma_wait3A_82 = arith.constant 64 : i32
    %dma_wait3A_83 = arith.constant 0 : i32
    %dma_wait3A_84 = tpu.memref_slice %arg4[%add3A, %dma_wait3A_82, %dma_wait3A_83] : memref<32x128x128xf32, #tpu.memory_space<hbm>> -> memref<1x32x128xf32, #tpu.memory_space<hbm>>
    %dma_wait3A_85 = tpu.memref_squeeze %dma_wait3A_84 : memref<1x32x128xf32, #tpu.memory_space<hbm>> -> memref<32x128xf32, #tpu.memory_space<hbm>>
    tpu.wait_dma2 semaphore(%arg11 : memref<!tpu.dma_semaphore, #tpu.memory_space<semaphore_mem>>) src(%arg7 : memref<32x128xf32, #tpu.memory_space<vmem>>) dst(%dma_wait3A_85 : memref<32x128xf32, #tpu.memory_space<hbm>>)
    %dma_wait3A_86 = arith.constant 96 : i32
    %dma_wait3A_87 = arith.constant 0 : i32
    %dma_wait3A_88 = tpu.memref_slice %arg4[%add3A, %dma_wait3A_86, %dma_wait3A_87] : memref<32x128x128xf32, #tpu.memory_space<hbm>> -> memref<1x32x128xf32, #tpu.memory_space<hbm>>
    %dma_wait3A_89 = tpu.memref_squeeze %dma_wait3A_88 : memref<1x32x128xf32, #tpu.memory_space<hbm>> -> memref<32x128xf32, #tpu.memory_space<hbm>>
    %dma_wait3A_90 = arith.constant 96 : i32
    %dma_wait3A_91 = arith.constant 0 : i32
    %dma_wait3A_92 = tpu.memref_slice %arg4[%add3A, %dma_wait3A_90, %dma_wait3A_91] : memref<32x128x128xf32, #tpu.memory_space<hbm>> -> memref<1x32x128xf32, #tpu.memory_space<hbm>>
    %dma_wait3A_93 = tpu.memref_squeeze %dma_wait3A_92 : memref<1x32x128xf32, #tpu.memory_space<hbm>> -> memref<32x128xf32, #tpu.memory_space<hbm>>
    tpu.wait_dma2 semaphore(%arg11 : memref<!tpu.dma_semaphore, #tpu.memory_space<semaphore_mem>>) src(%arg8 : memref<32x128xf32, #tpu.memory_space<vmem>>) dst(%dma_wait3A_93 : memref<32x128xf32, #tpu.memory_space<hbm>>)
    return
  }
}

</mosaic_0001>

<sc_bundles>
// kernel: kernel.3.cloned.1.call-start
scs
__scs_entry_jumppad:
0x0: {  	(pc) =	sbr.rel $0x88, $3  }
0x1: {  	(tag) =	ssettag $0x0;
	lr =	simm.s32 $0x1  }
0x2: {  	[smem:$0x3F9F] =	sst lr;
	_ =	strace $0xD0000000  }
0x3: {  	_ = 	snop  }
0x4: {  	_ = 	snop  }
0x5: {  	_ = 	snop  }
0x6: {  	_ = 	snop  }
0x7: {  	_ = 	snop  }
__scs_overlays_trampoline_lowered:
0x8: {  	[smem:$0x3FAE] =	sst s0  }
0x9: {  	[smem:$0x3FAF] =	sst s1  }
0xa: {  	[smem:$0x3FB0] =	sst s2  }
0xb: {  	[smem:$0x3FB1] =	sst s3  }
0xc: {  	[smem:$0x3FB2] =	sst s4  }
0xd: {  	[smem:$0x3FB3] =	sst s5  }
0xe: {  	[smem:$0x3FB4] =	sst s6  }
0xf: {  	[smem:$0x3FB5] =	sst s7  }
0x10: {  	[smem:$0x3FB6] =	sst s8  }
0x11: {  	[smem:$0x3FB7] =	sst s9;
	s0 =	simm.s32 @!p0 $0x0  }
0x12: {  	s1 =	sld [smem:$0x3F9D];
	s0 =	simm.s32 @p0 $0x1  }
0x13: {  	[smem:$0x3FB8] =	sst s0;
	s0 =	simm.s32 @!p1 $0x0  }
0x14: {  	s2 =	sld [smem:$0x3F9C];
	s0 =	simm.s32 @p1 $0x1  }
0x15: {  	[smem:$0x3FB9] =	sst s0;
	s0 =	simm.s32 @!p2 $0x0  }
0x16: {  	s3 =	sld [smem:$0x3FDB];
	s0 =	simm.s32 @p2 $0x1  }
0x17: {  	s4 =	simm.s32 $0x1BF5;
	[smem:$0x3FBB] =	sst s0  }
0x18: {  	s0 =	sld [smem:$0x3F9E];
	_ =	swait.ge [sflag:s4], $0x0  }
0x19: {  	s7 =	sld [smem:$0x3F9F]  }
0x1a: {  	s8 =	sadd.s32 $0xFFFFE003, lr  }
0x1b: {  	s9 =	sadd.s32 $0xFFFFFEF7, lr;
	s5 =	simm.s32 $0xFFFFFFFF;
	p2 =	slt.u32 s8, $0xFFFFF086  }
0x1c: {  	p1 =	slt.u32 s9, $0xF7A;
	s5 =	simm.s32 @!p2 $0x0  }
0x1d: {  	s5 =	simm.s32 @p1 $0x1;
	p0 =	seq.s32 s7, s2  }
0x1e: {  	s7 =	smul.u32 @!p0 $0xF7A, s2;
	p2 =	seq.s32 @!p0 s5, $0x0  }
0x1f: {  	s9 =	smul.u32 $0xF7A, s1;
	s8 =	simm.s32 @!p0 $0x1BF5;
	p2 =	por !p2, p0  }
0x20: {  	[sflag:s8] =	ssyncset.s32 @!p0 $0xFFFFF086;
	s6 =	sadd.s32 @!p0 s3, s7;
	s7 =	simm.s32 @!p0 $0x108  }
0x21: {  	s3 =	sadd.s32 s3, s9;
	s6 =	sadd.s32 @!p0 $0x88, s6;
	s7 =	simm.s32 @p2 $0x1082  }
0x22: {  	[simem:s7], [sflag:s8] =	dma.local @!p0 [hbm:s6], $0xF7A  }
0x23: {  	s9 =	sor.u32 $0xD0000000, s2;
	s6 =	simm.s32 $0x108;
	_ =	swait.ge @!p0 [sflag:s8], $0x0  }
0x24: {  	s3 =	sadd.s32 $0x88, s3;
	s6 =	simm.s32 @!p1 $0x1082;
	[sflag:s4] =	ssyncset.s32 $0xFFFFF086  }
0x25: {  	[simem:s6], [sflag:s4] =	dma.local [hbm:s3], $0xF7A  }
0x26: {  	[smem:$0x3F9F] =	sst s1;
	(tag) =	ssettag s2;
	_ =	strace s9  }
0x27: {  	s1 =	sld [smem:$0x3FAF]  }
0x28: {  	s2 =	sld [smem:$0x3FB0]  }
0x29: {  	s4 =	sld [smem:$0x3FB2]  }
0x2a: {  	p0 =	seq.s32 s5, $0x0;
	s5 =	sld [smem:$0x3FB3]  }
0x2b: {  	s6 =	sld [smem:$0x3FB4]  }
0x2c: {  	s7 =	sld [smem:$0x3FB5]  }
0x2d: {  	s3 =	simm.s32 $0x108;
	s8 =	sld [smem:$0x3FB6]  }
0x2e: {  	s3 =	simm.s32 @!p0 $0x1082;
	s9 =	sld [smem:$0x3FB7]  }
0x2f: {  	lr =	sadd.s32 s0, s3;
	s0 =	sld [smem:$0x3FAE]  }
0x30: {  	s3 =	sld [smem:$0x3FB1]  }
0x31: {  	[smem:$0x3FBA] =	sst s10  }
0x32: {  	s10 =	sld [smem:$0x3FB8];
	_ =	sdelay $0x3  }
0x33: {  	p0 =	seq.s32 s10, $0x1;
	s10 =	sld [smem:$0x3FBA];
	_ =	sdelay $0x3  }
0x34: {  	[smem:$0x3FBA] =	sst s10  }
0x35: {  	s10 =	sld [smem:$0x3FB9];
	_ =	sdelay $0x3  }
0x36: {  	p1 =	seq.s32 s10, $0x1;
	s10 =	sld [smem:$0x3FBA];
	_ =	sdelay $0x3  }
0x37: {  	[smem:$0x3FBA] =	sst s10  }
0x38: {  	s10 =	sld [smem:$0x3FBB]  }
0x39: {  	_ = 	snop;
	(pc) =	sbr.ind lr, $3  }
0x3a: {  	_ = 	snop  }
0x3b: {  	_ = 	snop  }
0x3c: {  	p2 =	seq.s32 s10, $0x1;
	s10 =	sld [smem:$0x3FBA]  }
0x3d: {  	_ =	shalt  }
0x3e: {  	_ =	shalt  }
0x3f: {  	_ =	shalt  }
0x40: {  	_ =	shalt  }
0x41: {  	_ =	shalt  }
0x42: {  	_ =	shalt  }
0x43: {  	_ =	shalt  }
0x44: {  	_ =	shalt  }
0x45: {  	_ =	shalt  }
0x46: {  	_ =	shalt  }
0x47: {  	_ =	shalt  }
0x48: {  	_ =	shalt  }
0x49: {  	_ =	shalt  }
0x4a: {  	_ =	shalt  }
0x4b: {  	_ =	shalt  }
0x4c: {  	_ =	shalt  }
0x4d: {  	_ =	shalt  }
0x4e: {  	_ =	shalt  }
0x4f: {  	_ =	shalt  }
0x50: {  	_ =	shalt  }
0x51: {  	_ =	shalt  }
0x52: {  	_ =	shalt  }
0x53: {  	_ =	shalt  }
0x54: {  	_ =	shalt  }
0x55: {  	_ =	shalt  }
0x56: {  	_ =	shalt  }
0x57: {  	_ =	shalt  }
0x58: {  	_ =	shalt  }
0x59: {  	_ =	shalt  }
0x5a: {  	_ =	shalt  }
0x5b: {  	_ =	shalt  }
0x5c: {  	_ =	shalt  }
0x5d: {  	_ =	shalt  }
0x5e: {  	_ =	shalt  }
0x5f: {  	_ =	shalt  }
0x60: {  	_ =	shalt  }
0x61: {  	_ =	shalt  }
0x62: {  	_ =	shalt  }
0x63: {  	_ =	shalt  }
0x64: {  	_ =	shalt  }
0x65: {  	_ =	shalt  }
0x66: {  	_ =	shalt  }
0x67: {  	_ =	shalt  }
0x68: {  	_ =	shalt  }
0x69: {  	_ =	shalt  }
0x6a: {  	_ =	shalt  }
0x6b: {  	_ =	shalt  }
0x6c: {  	_ =	shalt  }
0x6d: {  	_ =	shalt  }
0x6e: {  	_ =	shalt  }
0x6f: {  	_ =	shalt  }
0x70: {  	_ =	shalt  }
0x71: {  	_ =	shalt  }
0x72: {  	_ =	shalt  }
0x73: {  	_ =	shalt  }
0x74: {  	_ =	shalt  }
0x75: {  	_ =	shalt  }
0x76: {  	_ =	shalt  }
0x77: {  	_ =	shalt  }
0x78: {  	_ =	shalt  }
0x79: {  	_ =	shalt  }
0x7a: {  	_ =	shalt  }
0x7b: {  	_ =	shalt  }
0x7c: {  	_ =	shalt  }
0x7d: {  	_ =	shalt  }
0x7e: {  	_ =	shalt  }
0x7f: {  	_ =	shalt  }
0x80: {  	_ =	shalt  }
0x81: {  	_ =	shalt  }
0x82: {  	_ =	shalt  }
0x83: {  	_ =	shalt  }
0x84: {  	_ =	shalt  }
0x85: {  	_ =	shalt  }
0x86: {  	_ =	shalt  }
0x87: {  	_ =	shalt  }
.Lfunc_end0:
.L_simem_size_0:
called_computation_lowered:
.L_overlay_start_0:
0x88: {  	s2 =	sld [smem:$0x3FD9]  }
0x89: {  	s3 =	sld [smem:$0x3FFE];
	_ =	sdelay $0x1  }
0x8a: {  	s1 =	srdreg.scid  }
0x8b: {  	s0 =	sand.u32 $0x1, s1  }
0x8c: {  	s18 =	sshll.u32 s0, $0xA;
	s2 =	sadd.s32 s3, s2  }
0x8d: {  	s2 =	sadd.s32 s2, s18  }
0x8e: {  	[smem:$0x3FC6] =	sst s2  }
0x8f: {  	_ = 	snop  }
0x90: {  	s2 =	sld [smem:$0x3FC9]  }
0x91: {  	s19 =	sld [smem:$0x3FC8]  }
0x92: {  	s4 =	sld [smem:$0x3FD0];
	(tm) =	ssettm $0x1  }
0x93: {  	s5 =	sld [smem:$0x3FFB];
	_ =	sdelay $0x3  }
0x94: {  	_ =	strace s5  }
0x95: {  	s5 =	sld [smem:$0x3FFC];
	_ =	sdelay $0x3  }
0x96: {  	_ =	strace s5  }
0x97: {  	s5 =	sld [smem:$0x3FFD];
	_ =	sdelay $0x3  }
0x98: {  	_ =	strace s5  }
0x99: {  	_ =	strace $0x8FFFFFFF  }
0x9a: {  	s20 =	sld [smem:$0x3FDB];
	_ =	sdelay $0x1  }
0x9b: {  	s6 =	simm.s32 $_scs_section_size  }
0x9c: {  	s7 =	simm.s32 $_size__tile_overlayer_lowered;
	s8 =	simm.s32 $_tile_overlayer_lowered  }
0x9d: {  	s23 =	simm.s32 $0x1BFF;
	s22 =	sshll.u32 s8, $0x1;
	s5 =	sadd.s32 s6, s20  }
0x9e: {  	s9 =	simm.s32 $0x0;
	s21 =	sshll.u32 s7, $0x1;
	s7 =	sadd.s32 s22, s5  }
0x9f: {  	[timem:s9], [sflag:s23] =	dma.local [hbm:s7], s21  }
0xa0: {  	_ =	swait.ge [sflag:s23], s21  }
0xa1: {  	s6 =	ssub.s32 $0x0, s21;
	[sflag:s23] =	ssyncset.done $0x0  }
0xa2: {  	[sflag:s23] =	ssyncadd.s32 s6;
	_ =	sdelay $0x1  }
0xa3: {  	s24 =	simm.s32 $0x1B8B  }
0xa4: {  	_ =	swait.ge [sflag:s24], $0x1  }
0xa5: {  	[sflag:s24] =	ssyncset.done $0x0  }
0xa6: {  	s25 =	simm.s32 $0x1B8E;
	[sflag:s24] =	ssyncadd.s32 $0xFFFFFFFF  }
0xa7: {  	s26 =	simm.s32 $execute0_lowered;
	[smem:$0x3FD2] =	sst s25  }
0xa8: {  	s6 =	sshll.u32 s26, $0x1;
	_ =	strace $0x80000046;
	[dreg:$0x1] =	wrdreg $0xFFFFFFFF  }
0xa9: {  	s28 =	simm.s32 $_size_execute0_lowered;
	s5 =	sadd.s32 s5, s6;
	[dreg:$0x0] =	wrdreg $0x0  }
0xaa: {  	s6 =	sshll.u32 s28, $0x1;
	[dreg:$0x2] =	wrdreg s5  }
0xab: {  	[dreg:$0x3] =	wrdreg s6  }
0xac: {  	[dreg:$0x4] =	wrdreg $0xC0  }
0xad: {  	_ =	task [dreg:s9], $0x5FFFF  }
0xae: {  	[dreg:$0x1] =	wrdreg $0xFFFFFFFF  }
0xaf: {  	[dreg:$0x0] =	wrdreg $0x60  }
0xb0: {  	[dreg:$0x2] =	wrdreg s19  }
0xb1: {  	[dreg:$0x3] =	wrdreg s2  }
0xb2: {  	[dreg:$0x4] =	wrdreg s4  }
0xb3: {  	[dreg:$0x5] =	wrdreg $0x9  }
0xb4: {  	_ =	task.clear_ibuf [dreg:s9], $0x6FFFF;
	_ =	strace $0x90000046  }
0xb5: {  	s29 =	simm.s32 $0x9;
	_ =	strace $0x80000048  }
0xb6: {  	_ =	swait.ge [sflag:s29], $0x1  }
0xb7: {  	[sflag:s29] =	ssyncadd.s32 $0xFFFFFFFF  }
0xb8: {  	_ =	strace $0x90000048  }
0xb9: {  	_ =	sfence  }
0xba: {  	s30 =	sld [smem:$0x0];
	_ =	sdelay $0x2  }
0xbb: {  	s31 =	sshll.u32 s1, $0xD;
	s1 =	sshrl.u32 s1, $0x2  }
0xbc: {  	s3 =	sand.u32 $0x4000, s31;
	s1 =	sadd.s32 s1, s30  }
0xbd: {  	s0 =	sor.u32 s3, s0;
	s1 =	sshll.u32 s1, $0x11  }
0xbe: {  	s0 =	sor.u32 s1, s0  }
0xbf: {  	s0 =	sadd.s32 $0x8F2B, s0  }
0xc0: {  	[sflag:s0] =	ssyncadd.remote.s32 $0x1  }
0xc1: {  	_ =	sfence.sel $0xFFFF  }
0xc2: {  	[dreg:$0x0] =	wrdreg $0xFFFFFFFF;
	(pc) =	sbr.abs _section_cstart, $3  }
0xc3: {  	[dreg:$0x1] =	wrdreg $0xFFFFFFFF  }
0xc4: {  	_ =	task.clear_ibuf [dreg:s9], $0x2FFFF;
	_ =	strace $0x9FFFFFFF  }
0xc5: {  	(tm) =	ssettm $0x7FFFFFFF  }
tec
execute0_lowered:
.L_overlay_start_1:
0x0: {  	(tag) =	ssettag $0x1  }
0x1: {  	s5 =	rddreg [dreg:$0x0]  }
0x2: {  	s2 =	rddreg [dreg:$0x1]  }
0x3: {  	s4 =	rddreg [dreg:$0x2];
	s3 =	srdreg.scid  }
0x4: {  	s1 =	stileid.u32;
	s0 =	rddreg [dreg:$0x3];
	s10 =	simm.s32 $0x80  }
0x5: {  	s11 =	simm.s32 $0x400;
	s12 =	simm.s32 $0x18700;
	s13 =	simm.s32 $0x2  }
0x6: {  	s14 =	simm.s32 $0x1;
	s15 =	simm.s32 $0x1C700;
	s16 =	simm.s32 $0x1D700  }
0x7: {  	s17 =	simm.s32 $0x3;
	s18 =	simm.s32 $0x0;
	s6 =	sand.u32 $0x1, s3  }
0x8: {  	s7 =	sshll.u32 s1, $0x1;
	s3 =	simm.s32 $0x0;
	s8 =	sshrl.u32 s1, $0x2  }
0x9: {  	s7 =	sor.u32 s6, s7;
	[smem:$0x7FF] =	sst s3;
	s8 =	smul.u32 $0xC3800, s8  }
0xa: {  	s6 =	ssub.s32 $0x2, s6;
	s9 =	sshll.u32 s7, $0x7;
	_ =	strace $0x80000047  }
0xb: {  	s7 =	sshll.u32 s7, $0xB;
	s31 =	sshrl.u32 s6, $0x1;
	s9 =	sand.u32 $0x380, s9  }
0xc: {  	s4 =	sadd.s32 s4, s7;
	s8 =	sor.u32 s8, s9;
	s9 =	ssub.s32 s6, s31  }
0xd: {  	s6 =	sadd.s32 $0x200, s4;
	s7 =	sadd.s32 $0x400, s4;
	s8 =	sshrl.u32 s8, $0x3  }
0xe: {  	s9 =	smax.u32 s9, $0x1;
	s5 =	sadd.s32 s5, s8;
	s8 =	sadd.s32 $0x600, s4  }
.LBB2_1:
0xf: {  	[tilespmem:s3], [sflag:$0x1] =	stream.strided.gather [hbm4b:s5+s10], $0x18700, s11, s10, $0x38;
	[tilespmem:$0x1E700] =	vst v63  }
0x10: {  	_ = 	snop  }
0x11: {  	[tilespmem:s12], [sflag:$0x2] =	stream.linear.gather [hbm4b:s2+s3], $0x4000, $0x38;
	[tilespmem:$0x1E700] =	vst v63  }
0x12: {  	_ =	swait.ge [sflag:s13], $0x4000  }
0x13: {  	[sflag:s13] =	ssyncset.done $0x0  }
0x14: {  	[sflag:s13] =	ssyncadd.s32 $0xFFFFC000  }
0x15: {  	_ =	swait.ge [sflag:s14], $0x18700  }
0x16: {  	[sflag:s14] =	ssyncset.done $0x0  }
0x17: {  	s19 =	simm.s32 $0x0;
	[sflag:s14] =	ssyncadd.s32 $0xFFFE7900  }
0x18: {  	v0 =	vld [tilespmem:s19+$0x18700]  }
0x19: {  	v1 =	vld [tilespmem:s19+$0x18770]  }
0x1a: {  	v2 =	vld [tilespmem:s19+$0x18710]  }
0x1b: {  	v3 =	vld [tilespmem:s19+$0x18720]  }
0x1c: {  	v4 =	vld [tilespmem:s19+$0x18730]  }
0x1d: {  	v7 =	vld [tilespmem:s19+$0x18740]  }
0x1e: {  	v8 =	vld [tilespmem:s19+$0x18750]  }
0x1f: {  	v9 =	vld [tilespmem:s19+$0x18760]  }
0x20: {  	v10 =	vld.idx.msk [tilespmem:v0+s3+$0x0], $0xffff  }
0x21: {  	v0 =	vld.idx.msk [tilespmem:v1+s3+$0x0], $0xffff  }
0x22: {  	v6 =	vld.idx.msk [tilespmem:v2+s3+$0x0], $0xffff  }
0x23: {  	v5 =	vld.idx.msk [tilespmem:v3+s3+$0x0], $0xffff  }
0x24: {  	v4 =	vld.idx.msk [tilespmem:v4+s3+$0x0], $0xffff  }
0x25: {  	v3 =	vld.idx.msk [tilespmem:v7+s3+$0x0], $0xffff  }
0x26: {  	v2 =	vld.idx.msk [tilespmem:v8+s3+$0x0], $0xffff  }
0x27: {  	s20 =	simm.s32 $0x80;
	v1 =	vld.idx.msk [tilespmem:v9+s3+$0x0], $0xffff;
	[tilespmem:s19+$0x1C770] =	vst v0  }
0x28: {  	s21 =	simm.s32 $0x400;
	v0 =	vld [tilespmem:s20+$0x18700];
	[tilespmem:s19+$0x1C700] =	vst v10  }
.LBB2_2:
0x29: {  	p0 =	sne.s32 s21, $0x3E00;
	v7 =	vld [tilespmem:s20+$0x18770];
	[tilespmem:s19+$0x1C710] =	vst v6  }
0x2a: {  	v6 =	vld [tilespmem:s20+$0x18710];
	[tilespmem:s19+$0x1C720] =	vst v5  }
0x2b: {  	v5 =	vld [tilespmem:s20+$0x18720];
	[tilespmem:s19+$0x1C730] =	vst v4  }
0x2c: {  	v4 =	vld [tilespmem:s20+$0x18730];
	[tilespmem:s19+$0x1C740] =	vst v3  }
0x2d: {  	v3 =	vld [tilespmem:s20+$0x18740];
	[tilespmem:s19+$0x1C750] =	vst v2  }
0x2e: {  	v2 =	vld [tilespmem:s20+$0x18750];
	[tilespmem:s19+$0x1C760] =	vst v1;
	s19 =	smov.u32 s20  }
0x2f: {  	v1 =	vld [tilespmem:s19+$0x18760]  }
0x30: {  	v8 =	vld.idx.msk [tilespmem:v0+s3+$0x0], $0xffff  }
0x31: {  	v0 =	vld.idx.msk [tilespmem:v7+s3+$0x0], $0xffff  }
0x32: {  	v6 =	vld.idx.msk [tilespmem:v6+s3+$0x0], $0xffff  }
0x33: {  	v5 =	vld.idx.msk [tilespmem:v5+s3+$0x0], $0xffff  }
.Ltmp0:
0x34: {  	v4 =	vld.idx.msk [tilespmem:v4+s3+$0x0], $0xffff;
	(pc) =	sbr.rel @p0 .LBB2_2-.Ltmp0, $4  }
0x35: {  	v3 =	vld.idx.msk [tilespmem:v3+s3+$0x0], $0xffff  }
0x36: {  	v2 =	vld.idx.msk [tilespmem:v2+s3+$0x0], $0xffff  }
0x37: {  	s20 =	sshra.s32 s21, $0x2;
	v1 =	vld.idx.msk [tilespmem:v1+s3+$0x0], $0xffff;
	[tilespmem:s19+$0x1C770] =	vst v0  }
0x38: {  	s21 =	sadd.s32 $0x200, s21;
	v0 =	vld [tilespmem:s20+$0x18700];
	[tilespmem:s19+$0x1C700] =	vst v8  }
0x39: {  	_ = 	snop  }
0x3a: {  	v7 =	vld [tilespmem:s20+$0x18770];
	[tilespmem:s19+$0x1C710] =	vst v6  }
0x3b: {  	v6 =	vld [tilespmem:s20+$0x18710];
	[tilespmem:s19+$0x1C720] =	vst v5  }
0x3c: {  	v5 =	vld [tilespmem:s20+$0x18720];
	[tilespmem:s19+$0x1C730] =	vst v4  }
0x3d: {  	v4 =	vld [tilespmem:s20+$0x18730];
	[tilespmem:s19+$0x1C740] =	vst v3  }
0x3e: {  	v3 =	vld [tilespmem:s20+$0x18740];
	[tilespmem:s19+$0x1C750] =	vst v2  }
0x3f: {  	v2 =	vld [tilespmem:s20+$0x18750];
	[tilespmem:s19+$0x1C760] =	vst v1  }
0x40: {  	v1 =	vld [tilespmem:s20+$0x18760]  }
0x41: {  	v0 =	vld.idx.msk [tilespmem:v0+s3+$0x0], $0xffff  }
0x42: {  	v7 =	vld.idx.msk [tilespmem:v7+s3+$0x0], $0xffff  }
0x43: {  	v6 =	vld.idx.msk [tilespmem:v6+s3+$0x0], $0xffff  }
0x44: {  	v5 =	vld.idx.msk [tilespmem:v5+s3+$0x0], $0xffff  }
0x45: {  	v4 =	vld.idx.msk [tilespmem:v4+s3+$0x0], $0xffff  }
0x46: {  	v3 =	vld.idx.msk [tilespmem:v3+s3+$0x0], $0xffff  }
0x47: {  	v2 =	vld.idx.msk [tilespmem:v2+s3+$0x0], $0xffff  }
0x48: {  	v1 =	vld.idx.msk [tilespmem:v1+s3+$0x0], $0xffff;
	[tilespmem:s20+$0x1C770] =	vst v7  }
0x49: {  	[tilespmem:s20+$0x1C700] =	vst v0  }
0x4a: {  	[tilespmem:s20+$0x1C710] =	vst v6  }
0x4b: {  	[tilespmem:s20+$0x1C720] =	vst v5  }
0x4c: {  	[tilespmem:s20+$0x1C730] =	vst v4  }
0x4d: {  	[tilespmem:s20+$0x1C740] =	vst v3  }
0x4e: {  	[tilespmem:s20+$0x1C750] =	vst v2  }
0x4f: {  	s31 =	simm.s32 $0x0;
	s19 =	simm.s32 $0x0;
	[tilespmem:s20+$0x1C760] =	vst v1  }
0x50: {  	[hbm4b:s4+s31] =	stream.linear.scatter [tilespmem:s15], [sflag:$0x3], $0x1000, $0x38;
	[tilespmem:$0x1E700] =	vst v63  }
0x51: {  	v0 =	vld [tilespmem:s19+$0x19700]  }
0x52: {  	v1 =	vld [tilespmem:s19+$0x19770]  }
0x53: {  	v2 =	vld [tilespmem:s19+$0x19710]  }
0x54: {  	v3 =	vld [tilespmem:s19+$0x19720]  }
0x55: {  	v4 =	vld [tilespmem:s19+$0x19730]  }
0x56: {  	v7 =	vld [tilespmem:s19+$0x19740]  }
0x57: {  	v8 =	vld [tilespmem:s19+$0x19750]  }
0x58: {  	v9 =	vld [tilespmem:s19+$0x19760]  }
0x59: {  	v10 =	vld.idx.msk [tilespmem:v0+s3+$0x0], $0xffff  }
0x5a: {  	v0 =	vld.idx.msk [tilespmem:v1+s3+$0x0], $0xffff  }
0x5b: {  	v6 =	vld.idx.msk [tilespmem:v2+s3+$0x0], $0xffff  }
0x5c: {  	v5 =	vld.idx.msk [tilespmem:v3+s3+$0x0], $0xffff  }
0x5d: {  	v4 =	vld.idx.msk [tilespmem:v4+s3+$0x0], $0xffff  }
0x5e: {  	v3 =	vld.idx.msk [tilespmem:v7+s3+$0x0], $0xffff  }
0x5f: {  	v2 =	vld.idx.msk [tilespmem:v8+s3+$0x0], $0xffff  }
0x60: {  	s20 =	simm.s32 $0x80;
	v1 =	vld.idx.msk [tilespmem:v9+s3+$0x0], $0xffff;
	[tilespmem:s19+$0x1D770] =	vst v0  }
0x61: {  	s21 =	simm.s32 $0x400;
	v0 =	vld [tilespmem:s20+$0x19700];
	[tilespmem:s19+$0x1D700] =	vst v10  }
.LBB2_4:
0x62: {  	p0 =	sne.s32 s21, $0x3E00;
	v7 =	vld [tilespmem:s20+$0x19770];
	[tilespmem:s19+$0x1D710] =	vst v6  }
0x63: {  	v6 =	vld [tilespmem:s20+$0x19710];
	[tilespmem:s19+$0x1D720] =	vst v5  }
0x64: {  	v5 =	vld [tilespmem:s20+$0x19720];
	[tilespmem:s19+$0x1D730] =	vst v4  }
0x65: {  	v4 =	vld [tilespmem:s20+$0x19730];
	[tilespmem:s19+$0x1D740] =	vst v3  }
0x66: {  	v3 =	vld [tilespmem:s20+$0x19740];
	[tilespmem:s19+$0x1D750] =	vst v2  }
0x67: {  	v2 =	vld [tilespmem:s20+$0x19750];
	[tilespmem:s19+$0x1D760] =	vst v1;
	s19 =	smov.u32 s20  }
0x68: {  	v1 =	vld [tilespmem:s19+$0x19760]  }
0x69: {  	v8 =	vld.idx.msk [tilespmem:v0+s3+$0x0], $0xffff  }
0x6a: {  	v0 =	vld.idx.msk [tilespmem:v7+s3+$0x0], $0xffff  }
0x6b: {  	v6 =	vld.idx.msk [tilespmem:v6+s3+$0x0], $0xffff  }
0x6c: {  	v5 =	vld.idx.msk [tilespmem:v5+s3+$0x0], $0xffff  }
.Ltmp1:
0x6d: {  	v4 =	vld.idx.msk [tilespmem:v4+s3+$0x0], $0xffff;
	(pc) =	sbr.rel @p0 .LBB2_4-.Ltmp1, $4  }
0x6e: {  	v3 =	vld.idx.msk [tilespmem:v3+s3+$0x0], $0xffff  }
0x6f: {  	v2 =	vld.idx.msk [tilespmem:v2+s3+$0x0], $0xffff  }
0x70: {  	s20 =	sshra.s32 s21, $0x2;
	v1 =	vld.idx.msk [tilespmem:v1+s3+$0x0], $0xffff;
	[tilespmem:s19+$0x1D770] =	vst v0  }
0x71: {  	s21 =	sadd.s32 $0x200, s21;
	v0 =	vld [tilespmem:s20+$0x19700];
	[tilespmem:s19+$0x1D700] =	vst v8  }
0x72: {  	_ = 	snop  }
0x73: {  	v7 =	vld [tilespmem:s20+$0x19770];
	[tilespmem:s19+$0x1D710] =	vst v6  }
0x74: {  	v6 =	vld [tilespmem:s20+$0x19710];
	[tilespmem:s19+$0x1D720] =	vst v5  }
0x75: {  	v5 =	vld [tilespmem:s20+$0x19720];
	[tilespmem:s19+$0x1D730] =	vst v4  }
0x76: {  	v4 =	vld [tilespmem:s20+$0x19730];
	[tilespmem:s19+$0x1D740] =	vst v3  }
0x77: {  	v3 =	vld [tilespmem:s20+$0x19740];
	[tilespmem:s19+$0x1D750] =	vst v2  }
0x78: {  	v2 =	vld [tilespmem:s20+$0x19750];
	[tilespmem:s19+$0x1D760] =	vst v1  }
0x79: {  	v1 =	vld [tilespmem:s20+$0x19760]  }
0x7a: {  	v0 =	vld.idx.msk [tilespmem:v0+s3+$0x0], $0xffff  }
0x7b: {  	v7 =	vld.idx.msk [tilespmem:v7+s3+$0x0], $0xffff  }
0x7c: {  	v6 =	vld.idx.msk [tilespmem:v6+s3+$0x0], $0xffff  }
0x7d: {  	v5 =	vld.idx.msk [tilespmem:v5+s3+$0x0], $0xffff  }
0x7e: {  	v4 =	vld.idx.msk [tilespmem:v4+s3+$0x0], $0xffff  }
0x7f: {  	v3 =	vld.idx.msk [tilespmem:v3+s3+$0x0], $0xffff  }
0x80: {  	v2 =	vld.idx.msk [tilespmem:v2+s3+$0x0], $0xffff  }
0x81: {  	v1 =	vld.idx.msk [tilespmem:v1+s3+$0x0], $0xffff;
	[tilespmem:s20+$0x1D770] =	vst v7  }
0x82: {  	[tilespmem:s20+$0x1D700] =	vst v0  }
0x83: {  	[tilespmem:s20+$0x1D710] =	vst v6  }
0x84: {  	[tilespmem:s20+$0x1D720] =	vst v5  }
0x85: {  	[tilespmem:s20+$0x1D730] =	vst v4  }
0x86: {  	[tilespmem:s20+$0x1D740] =	vst v3  }
0x87: {  	[tilespmem:s20+$0x1D750] =	vst v2  }
0x88: {  	s31 =	simm.s32 $0x0;
	[tilespmem:s20+$0x1D760] =	vst v1  }
0x89: {  	[hbm4b:s6+s31] =	stream.linear.scatter [tilespmem:s16], [sflag:$0x3], $0x1000, $0x38;
	[tilespmem:$0x1E700] =	vst v63  }
0x8a: {  	_ =	swait.ge [sflag:s17], $0x1000  }
0x8b: {  	[sflag:s17] =	ssyncset.done $0x0  }
0x8c: {  	s19 =	simm.s32 $0x0;
	[sflag:s17] =	ssyncadd.s32 $0xFFFFF000  }
0x8d: {  	v0 =	vld [tilespmem:s19+$0x1A700]  }
0x8e: {  	v1 =	vld [tilespmem:s19+$0x1A770]  }
0x8f: {  	v2 =	vld [tilespmem:s19+$0x1A710]  }
0x90: {  	v3 =	vld [tilespmem:s19+$0x1A720]  }
0x91: {  	v4 =	vld [tilespmem:s19+$0x1A730]  }
0x92: {  	v7 =	vld [tilespmem:s19+$0x1A740]  }
0x93: {  	v8 =	vld [tilespmem:s19+$0x1A750]  }
0x94: {  	v9 =	vld [tilespmem:s19+$0x1A760]  }
0x95: {  	v10 =	vld.idx.msk [tilespmem:v0+s3+$0x0], $0xffff  }
0x96: {  	v0 =	vld.idx.msk [tilespmem:v1+s3+$0x0], $0xffff  }
0x97: {  	v6 =	vld.idx.msk [tilespmem:v2+s3+$0x0], $0xffff  }
0x98: {  	v5 =	vld.idx.msk [tilespmem:v3+s3+$0x0], $0xffff  }
0x99: {  	v4 =	vld.idx.msk [tilespmem:v4+s3+$0x0], $0xffff  }
0x9a: {  	v3 =	vld.idx.msk [tilespmem:v7+s3+$0x0], $0xffff  }
0x9b: {  	v2 =	vld.idx.msk [tilespmem:v8+s3+$0x0], $0xffff  }
0x9c: {  	s20 =	simm.s32 $0x80;
	v1 =	vld.idx.msk [tilespmem:v9+s3+$0x0], $0xffff;
	[tilespmem:s19+$0x1C770] =	vst v0  }
0x9d: {  	s21 =	simm.s32 $0x400;
	v0 =	vld [tilespmem:s20+$0x1A700];
	[tilespmem:s19+$0x1C700] =	vst v10  }
.LBB2_6:
0x9e: {  	p0 =	sne.s32 s21, $0x3E00;
	v7 =	vld [tilespmem:s20+$0x1A770];
	[tilespmem:s19+$0x1C710] =	vst v6  }
0x9f: {  	v6 =	vld [tilespmem:s20+$0x1A710];
	[tilespmem:s19+$0x1C720] =	vst v5  }
0xa0: {  	v5 =	vld [tilespmem:s20+$0x1A720];
	[tilespmem:s19+$0x1C730] =	vst v4  }
0xa1: {  	v4 =	vld [tilespmem:s20+$0x1A730];
	[tilespmem:s19+$0x1C740] =	vst v3  }
0xa2: {  	v3 =	vld [tilespmem:s20+$0x1A740];
	[tilespmem:s19+$0x1C750] =	vst v2  }
0xa3: {  	v2 =	vld [tilespmem:s20+$0x1A750];
	[tilespmem:s19+$0x1C760] =	vst v1;
	s19 =	smov.u32 s20  }
0xa4: {  	v1 =	vld [tilespmem:s19+$0x1A760]  }
0xa5: {  	v8 =	vld.idx.msk [tilespmem:v0+s3+$0x0], $0xffff  }
0xa6: {  	v0 =	vld.idx.msk [tilespmem:v7+s3+$0x0], $0xffff  }
0xa7: {  	v6 =	vld.idx.msk [tilespmem:v6+s3+$0x0], $0xffff  }
0xa8: {  	v5 =	vld.idx.msk [tilespmem:v5+s3+$0x0], $0xffff  }
.Ltmp2:
0xa9: {  	v4 =	vld.idx.msk [tilespmem:v4+s3+$0x0], $0xffff;
	(pc) =	sbr.rel @p0 .LBB2_6-.Ltmp2, $4  }
0xaa: {  	v3 =	vld.idx.msk [tilespmem:v3+s3+$0x0], $0xffff  }
0xab: {  	v2 =	vld.idx.msk [tilespmem:v2+s3+$0x0], $0xffff  }
0xac: {  	s20 =	sshra.s32 s21, $0x2;
	v1 =	vld.idx.msk [tilespmem:v1+s3+$0x0], $0xffff;
	[tilespmem:s19+$0x1C770] =	vst v0  }
0xad: {  	s21 =	sadd.s32 $0x200, s21;
	v0 =	vld [tilespmem:s20+$0x1A700];
	[tilespmem:s19+$0x1C700] =	vst v8  }
0xae: {  	_ = 	snop  }
0xaf: {  	v7 =	vld [tilespmem:s20+$0x1A770];
	[tilespmem:s19+$0x1C710] =	vst v6  }
0xb0: {  	v6 =	vld [tilespmem:s20+$0x1A710];
	[tilespmem:s19+$0x1C720] =	vst v5  }
0xb1: {  	v5 =	vld [tilespmem:s20+$0x1A720];
	[tilespmem:s19+$0x1C730] =	vst v4  }
0xb2: {  	v4 =	vld [tilespmem:s20+$0x1A730];
	[tilespmem:s19+$0x1C740] =	vst v3  }
0xb3: {  	v3 =	vld [tilespmem:s20+$0x1A740];
	[tilespmem:s19+$0x1C750] =	vst v2  }
0xb4: {  	v2 =	vld [tilespmem:s20+$0x1A750];
	[tilespmem:s19+$0x1C760] =	vst v1  }
0xb5: {  	v1 =	vld [tilespmem:s20+$0x1A760]  }
0xb6: {  	v0 =	vld.idx.msk [tilespmem:v0+s3+$0x0], $0xffff  }
0xb7: {  	v7 =	vld.idx.msk [tilespmem:v7+s3+$0x0], $0xffff  }
0xb8: {  	v6 =	vld.idx.msk [tilespmem:v6+s3+$0x0], $0xffff  }
0xb9: {  	v5 =	vld.idx.msk [tilespmem:v5+s3+$0x0], $0xffff  }
0xba: {  	v4 =	vld.idx.msk [tilespmem:v4+s3+$0x0], $0xffff  }
0xbb: {  	v3 =	vld.idx.msk [tilespmem:v3+s3+$0x0], $0xffff  }
0xbc: {  	v2 =	vld.idx.msk [tilespmem:v2+s3+$0x0], $0xffff  }
0xbd: {  	v1 =	vld.idx.msk [tilespmem:v1+s3+$0x0], $0xffff;
	[tilespmem:s20+$0x1C770] =	vst v7  }
0xbe: {  	[tilespmem:s20+$0x1C700] =	vst v0  }
0xbf: {  	[tilespmem:s20+$0x1C710] =	vst v6  }
0xc0: {  	[tilespmem:s20+$0x1C720] =	vst v5  }
0xc1: {  	[tilespmem:s20+$0x1C730] =	vst v4  }
0xc2: {  	[tilespmem:s20+$0x1C740] =	vst v3  }
0xc3: {  	[tilespmem:s20+$0x1C750] =	vst v2  }
0xc4: {  	s31 =	simm.s32 $0x0;
	[tilespmem:s20+$0x1C760] =	vst v1  }
0xc5: {  	[hbm4b:s7+s31] =	stream.linear.scatter [tilespmem:s15], [sflag:$0x3], $0x1000, $0x38;
	[tilespmem:$0x1E700] =	vst v63  }
0xc6: {  	_ =	swait.ge [sflag:s17], $0x1000  }
0xc7: {  	[sflag:s17] =	ssyncset.done $0x0  }
0xc8: {  	s19 =	simm.s32 $0x0;
	[sflag:s17] =	ssyncadd.s32 $0xFFFFF000  }
0xc9: {  	v0 =	vld [tilespmem:s19+$0x1B700]  }
0xca: {  	v1 =	vld [tilespmem:s19+$0x1B770]  }
0xcb: {  	v2 =	vld [tilespmem:s19+$0x1B710]  }
0xcc: {  	v3 =	vld [tilespmem:s19+$0x1B720]  }
0xcd: {  	v4 =	vld [tilespmem:s19+$0x1B730]  }
0xce: {  	v7 =	vld [tilespmem:s19+$0x1B740]  }
0xcf: {  	v8 =	vld [tilespmem:s19+$0x1B750]  }
0xd0: {  	v9 =	vld [tilespmem:s19+$0x1B760]  }
0xd1: {  	v10 =	vld.idx.msk [tilespmem:v0+s3+$0x0], $0xffff  }
0xd2: {  	v0 =	vld.idx.msk [tilespmem:v1+s3+$0x0], $0xffff  }
0xd3: {  	v6 =	vld.idx.msk [tilespmem:v2+s3+$0x0], $0xffff  }
0xd4: {  	v5 =	vld.idx.msk [tilespmem:v3+s3+$0x0], $0xffff  }
0xd5: {  	v4 =	vld.idx.msk [tilespmem:v4+s3+$0x0], $0xffff  }
0xd6: {  	v3 =	vld.idx.msk [tilespmem:v7+s3+$0x0], $0xffff  }
0xd7: {  	v2 =	vld.idx.msk [tilespmem:v8+s3+$0x0], $0xffff  }
0xd8: {  	s20 =	simm.s32 $0x80;
	v1 =	vld.idx.msk [tilespmem:v9+s3+$0x0], $0xffff;
	[tilespmem:s19+$0x1D770] =	vst v0  }
0xd9: {  	s21 =	simm.s32 $0x400;
	v0 =	vld [tilespmem:s20+$0x1B700];
	[tilespmem:s19+$0x1D700] =	vst v10  }
.LBB2_8:
0xda: {  	p0 =	sne.s32 s21, $0x3E00;
	v7 =	vld [tilespmem:s20+$0x1B770];
	[tilespmem:s19+$0x1D710] =	vst v6  }
0xdb: {  	v6 =	vld [tilespmem:s20+$0x1B710];
	[tilespmem:s19+$0x1D720] =	vst v5  }
0xdc: {  	v5 =	vld [tilespmem:s20+$0x1B720];
	[tilespmem:s19+$0x1D730] =	vst v4  }
0xdd: {  	v4 =	vld [tilespmem:s20+$0x1B730];
	[tilespmem:s19+$0x1D740] =	vst v3  }
0xde: {  	v3 =	vld [tilespmem:s20+$0x1B740];
	[tilespmem:s19+$0x1D750] =	vst v2  }
0xdf: {  	v2 =	vld [tilespmem:s20+$0x1B750];
	[tilespmem:s19+$0x1D760] =	vst v1;
	s19 =	smov.u32 s20  }
0xe0: {  	v1 =	vld [tilespmem:s19+$0x1B760]  }
0xe1: {  	v8 =	vld.idx.msk [tilespmem:v0+s3+$0x0], $0xffff  }
0xe2: {  	v0 =	vld.idx.msk [tilespmem:v7+s3+$0x0], $0xffff  }
0xe3: {  	v6 =	vld.idx.msk [tilespmem:v6+s3+$0x0], $0xffff  }
0xe4: {  	v5 =	vld.idx.msk [tilespmem:v5+s3+$0x0], $0xffff  }
.Ltmp3:
0xe5: {  	v4 =	vld.idx.msk [tilespmem:v4+s3+$0x0], $0xffff;
	(pc) =	sbr.rel @p0 .LBB2_8-.Ltmp3, $4  }
0xe6: {  	v3 =	vld.idx.msk [tilespmem:v3+s3+$0x0], $0xffff  }
0xe7: {  	v2 =	vld.idx.msk [tilespmem:v2+s3+$0x0], $0xffff  }
0xe8: {  	s20 =	sshra.s32 s21, $0x2;
	v1 =	vld.idx.msk [tilespmem:v1+s3+$0x0], $0xffff;
	[tilespmem:s19+$0x1D770] =	vst v0  }
0xe9: {  	s21 =	sadd.s32 $0x200, s21;
	v0 =	vld [tilespmem:s20+$0x1B700];
	[tilespmem:s19+$0x1D700] =	vst v8  }
0xea: {  	_ = 	snop  }
0xeb: {  	v7 =	vld [tilespmem:s20+$0x1B770];
	[tilespmem:s19+$0x1D710] =	vst v6  }
0xec: {  	v6 =	vld [tilespmem:s20+$0x1B710];
	[tilespmem:s19+$0x1D720] =	vst v5  }
0xed: {  	v5 =	vld [tilespmem:s20+$0x1B720];
	[tilespmem:s19+$0x1D730] =	vst v4  }
0xee: {  	v4 =	vld [tilespmem:s20+$0x1B730];
	[tilespmem:s19+$0x1D740] =	vst v3  }
0xef: {  	v3 =	vld [tilespmem:s20+$0x1B740];
	[tilespmem:s19+$0x1D750] =	vst v2  }
0xf0: {  	v2 =	vld [tilespmem:s20+$0x1B750];
	[tilespmem:s19+$0x1D760] =	vst v1  }
0xf1: {  	v1 =	vld [tilespmem:s20+$0x1B760]  }
0xf2: {  	v0 =	vld.idx.msk [tilespmem:v0+s3+$0x0], $0xffff  }
0xf3: {  	v7 =	vld.idx.msk [tilespmem:v7+s3+$0x0], $0xffff  }
0xf4: {  	v6 =	vld.idx.msk [tilespmem:v6+s3+$0x0], $0xffff  }
0xf5: {  	v5 =	vld.idx.msk [tilespmem:v5+s3+$0x0], $0xffff  }
0xf6: {  	v4 =	vld.idx.msk [tilespmem:v4+s3+$0x0], $0xffff  }
0xf7: {  	v3 =	vld.idx.msk [tilespmem:v3+s3+$0x0], $0xffff  }
0xf8: {  	v2 =	vld.idx.msk [tilespmem:v2+s3+$0x0], $0xffff  }
0xf9: {  	v1 =	vld.idx.msk [tilespmem:v1+s3+$0x0], $0xffff;
	[tilespmem:s20+$0x1D770] =	vst v7  }
0xfa: {  	[tilespmem:s20+$0x1D700] =	vst v0  }
0xfb: {  	[tilespmem:s20+$0x1D710] =	vst v6  }
0xfc: {  	[tilespmem:s20+$0x1D720] =	vst v5  }
0xfd: {  	[tilespmem:s20+$0x1D730] =	vst v4  }
0xfe: {  	[tilespmem:s20+$0x1D740] =	vst v3  }
0xff: {  	[tilespmem:s20+$0x1D750] =	vst v2  }
0x100: {  	s18 =	sadd.s32 $0x1, s18;
	[tilespmem:s20+$0x1D760] =	vst v1  }
0x101: {  	[hbm4b:s8+s3] =	stream.linear.scatter [tilespmem:s16], [sflag:$0x3], $0x1000, $0x38;
	[tilespmem:$0x1E700] =	vst v63  }
0x102: {  	p0 =	sne.s32 s18, s9;
	_ =	swait.ge [sflag:s17], $0x1000  }
.Ltmp4:
0x103: {  	[sflag:s17] =	ssyncset.done $0x0;
	(pc) =	sbr.rel @p0 .LBB2_1-.Ltmp4, $4  }
0x104: {  	[sflag:s17] =	ssyncadd.s32 $0xFFFFF000  }
0x105: {  	_ =	swait.ge [sflag:s17], $0x1000  }
0x106: {  	[sflag:s17] =	ssyncset.done $0x0  }
0x107: {  	[sflag:s17] =	ssyncadd.s32 $0xFFFFF000  }
0x108: {  	_ =	sfence.sel $0x180000  }
0x109: {  	[bflag:$0x0] =	sbarrier.arrive $0xFFFF  }
0x10a: {  	p0 =	sne.s32 s1, $0x0;
	_ =	strace $0x90000047  }
0x10b: {  	s0 =	sadd.s32 @!p0 $0x100000, s0;
	[bflag:$0x2] =	sbarrier.arrive $0xFFFF  }
0x10c: {  	[sflag:s0] =	ssyncadd.tile.s32 @!p0 $0x1;
	_ =	shalt  }
.Lfunc_end2:
_tile_overlayer_lowered:
.L_overlay_start_2:
0x10d: {  	(tag) =	ssettag $0x2  }
0x10e: {  	s0 =	rddreg [dreg:$0x0];
	s2 =	stileid.u32  }
0x10f: {  	s1 =	rddreg [dreg:$0x1];
	p0 =	sne.s32 s2, $0x0  }
0x110: {  	s3 =	rddreg [dreg:$0x2];
	[bflag:$0x3] =	sbarrier.arrive $0xFFFF;
	s2 =	simm.s32 @!p0 $0x1C04  }
0x111: {  	[timem:s3], [sflag:s2] =	dma.local @!p0 [hbm:s0], s1  }
0x112: {  	s0 =	simm.s32 @!p0 $0x4  }
0x113: {  	_ =	swait.ge @!p0 [sflag:s0], s1  }
0x114: {  	s1 =	ssub.s32 @!p0 $0x0, s1;
	[sflag:s0] =	ssyncset.done @!p0 $0x0  }
0x115: {  	[sflag:s0] =	ssyncadd.s32 @!p0 s1  }
0x116: {  	[bflag:$0x3] =	sbarrier.arrive $0xFFFF  }
0x117: {  	_ =	shalt  }

</sc_bundles>
